<compile_context>
chip_gen: v7x
topology: tpu7x:2x2x1
jax: 0.10.2.dev20260603
libtpu: 0.0.44.dev20260713+nightly
codegen_flags: <defaults>
</compile_context>

<pallas_src>
import functools

import jax
import jax.numpy as jnp
from jax import lax
from jax.experimental import pallas as pl
from jax.experimental.pallas import tpu as pltpu
from jax.experimental.pallas import tpu_sc as plsc

N_ROWS = 100000
D = 128
B = 16384
_HALF = B // 2


_NC, _NS = 2, 16
_NW = _NC * _NS
_CHUNK = 128


def _sc_gather(table, idx, n, off):
    rows_per_w = n // _NW
    nchunk = rows_per_w // _CHUNK
    mesh = plsc.VectorSubcoreMesh(core_axis_name="c", subcore_axis_name="s")

    @functools.partial(
        pl.kernel,
        mesh=mesh,
        out_type=jax.ShapeDtypeStruct((n, D), jnp.float32),
        scratch_types=[
            pltpu.VMEM((rows_per_w,), jnp.int32),
            pltpu.VMEM((rows_per_w, D), jnp.float32),
            pltpu.SemaphoreType.DMA,
            pltpu.SemaphoreType.DMA,
        ],
    )
    def k(table_hbm, idx_hbm, out_hbm, idx_v, rows_v, gsem, wsem):
        wid = lax.axis_index("s") * _NC + lax.axis_index("c")
        base = wid * rows_per_w
        pltpu.sync_copy(idx_hbm.at[pl.ds(off + base, rows_per_w)], idx_v)
        gathers = []
        for c in range(nchunk):
            gathers.append(
                pltpu.async_copy(
                    table_hbm.at[idx_v.at[pl.ds(c * _CHUNK, _CHUNK)]],
                    rows_v.at[pl.ds(c * _CHUNK, _CHUNK)],
                    gsem,
                )
            )
        writes = []
        for c in range(nchunk):
            gathers[c].wait()
            writes.append(
                pltpu.async_copy(
                    rows_v.at[pl.ds(c * _CHUNK, _CHUNK)],
                    out_hbm.at[pl.ds(base + c * _CHUNK, _CHUNK)],
                    wsem,
                )
            )
        for wcp in writes:
            wcp.wait()

    return k(table, idx)



_BLK = 2048


def _rotl(x, r):
    return (x << jnp.uint32(r)) | (x >> jnp.uint32(32 - r))


def _threefry_bits(c1):
    ks = (jnp.uint32(0), jnp.uint32(1), jnp.uint32(0x1BD11BDB))
    rotations = ((13, 15, 26, 6), (17, 29, 16, 24))
    x0 = jnp.zeros_like(c1)
    x1 = c1 + jnp.uint32(1)
    for i in range(5):
        for r in rotations[i % 2]:
            x0 = x0 + x1
            x1 = _rotl(x1, r) ^ x0
        x0 = x0 + ks[(i + 1) % 3]
        x1 = x1 + ks[(i + 2) % 3] + jnp.uint32(i + 1)
    return x0 ^ x1


def _tc_body(inv_tau_ref, prob_ref, rows_ref, c_ref, out_ref):
    p = prob_ref[...].reshape(1, _BLK)
    wt = rows_ref[...].T
    c = c_ref[...]
    j = lax.broadcasted_iota(jnp.int32, (D, _BLK), 0)
    f = (jnp.broadcast_to(p * D, (D, _BLK)) + j).astype(jnp.uint32)
    bits = _threefry_bits(f)
    float_bits = (bits >> jnp.uint32(9)) | jnp.uint32(0x3F800000)
    tiny = jnp.float32(jnp.finfo(jnp.float32).tiny)
    u = lax.bitcast_convert_type(float_bits, jnp.float32) - jnp.float32(1.0)
    u = jnp.maximum(tiny, u * (jnp.float32(1.0) - tiny) + tiny)
    g = -jnp.log(-jnp.log(u))
    z = (wt + g) * inv_tau_ref[0]
    e = jnp.exp(z)
    s = jnp.sum(e, axis=0, keepdims=True)
    t = jnp.sum(e * c, axis=0, keepdims=True)
    out_ref[...] = (t / s).reshape(1, 1, _BLK)


def _tc_body_chain(inv_tau_ref, prob_ref, rows_ref, c_ref, prev_ref, out_ref):
    del prev_ref
    _tc_body(inv_tau_ref, prob_ref, rows_ref, c_ref, out_ref)


def _tc_half(inv_tau, prob3, rows, c2, prev, half):
    grid = _HALF // _BLK
    boff = half * grid
    body = _tc_body if prev is None else _tc_body_chain
    in_specs = [
        pl.BlockSpec(memory_space=pltpu.SMEM),
        pl.BlockSpec((_BLK,), lambda i: (i + boff,)),
        pl.BlockSpec((_BLK, D), lambda i: (i, 0)),
        pl.BlockSpec((D, 1), lambda i: (0, 0)),
    ]
    args = [inv_tau, prob3, rows, c2]
    aliases = {}
    if prev is not None:
        in_specs.append(pl.BlockSpec(memory_space=pl.ANY))
        args.append(prev)
        aliases = {4: 0}
    return pl.pallas_call(
        body,
        grid=(grid,),
        in_specs=in_specs,
        out_specs=pl.BlockSpec((1, 1, _BLK), lambda i: (0, 0, i + boff)),
        out_shape=jax.ShapeDtypeStruct((1, 1, B), jnp.float32),
        input_output_aliases=aliases,
        compiler_params=pltpu.CompilerParams(
            dimension_semantics=("parallel",),
        ),
    )(*args)


def kernel(problem, tau, W, kc_logit_pC):
    problem = problem.astype(jnp.int32)
    inv_tau = (jnp.float32(1.0) / jnp.asarray(tau, jnp.float32)).reshape(1)
    c2 = kc_logit_pC.reshape(D, 1)
    prob3 = problem

    rows0 = _sc_gather(W, problem, _HALF, 0)
    rows1 = _sc_gather(W, problem, _HALF, _HALF)
    acc = _tc_half(inv_tau, prob3, rows0, c2, None, 0)
    acc = _tc_half(inv_tau, prob3, rows1, c2, acc, 1)
    return acc.reshape(B)

# --- scband reference (transcript-rebuilt; emitter-appended) ---
"""Pipeline reference for scband-simple-model-21844203668108 (READ-ONLY COPY).

The authoritative reference and input builder live on the scoring server;
editing this copy changes nothing except your own understanding.
"""

import jax, jax.numpy as jnp
import numpy as np

N_PROBLEMS = 100000
N_LATENT_KCS = 128
BATCH = 16384

def setup_inputs(seed: int = 0) -> dict:
    key = jax.random.key(seed)
    k1, k2, k3 = jax.random.split(key, 3)
    problem = jax.random.randint(k1, (BATCH,), 0, N_PROBLEMS)
    # learned parameters
    W = jax.random.normal(k2, (N_PROBLEMS, N_LATENT_KCS), dtype=jnp.float32)  # kc_membership_logits.weight
    kc_logit_pC = jax.random.uniform(k3, (N_LATENT_KCS,), dtype=jnp.float32)
    return {"problem": problem, "tau": 1, "W": W, "kc_logit_pC": kc_logit_pC}

def reference(problem, tau, W, kc_logit_pC):
    # gumbel_softmax(logits, hard=False, tau=tau, dim=1)
    gumbel = jax.random.gumbel(jax.random.key(1), W.shape, dtype=W.dtype)
    kc_membership_probs = jax.nn.softmax((W + gumbel) / tau, axis=1)
    # embedding-style row gather
    mixture = jnp.take(kc_membership_probs, problem, axis=0)
    return jnp.matmul(mixture, kc_logit_pC)

if __name__ == "__main__":
    import jax
    _d = setup_inputs()
    print(jax.jit(kernel)(*tuple(_d.values())))

</pallas_src>

<mosaic_0001>
#map = affine_map<(d0, d1) -> (0, 0)>
#map1 = affine_map<(d0, d1) -> (0)>
module attributes {stable_mosaic.version = 14 : i64} {
  func.func @k(%arg0: i32, %arg1: i32, %arg2: memref<100000x128xf32, #tpu.memory_space<hbm>>, %arg3: memref<16384xi32, #tpu.memory_space<hbm>>, %arg4: memref<8192x128xf32, #tpu.memory_space<hbm>>, %arg5: memref<256xi32, #tpu.memory_space<vmem>>, %arg6: memref<256x128xf32, #tpu.memory_space<vmem>>, %arg7: memref<!tpu.dma_semaphore, #tpu.memory_space<semaphore_mem>>, %arg8: memref<!tpu.dma_semaphore, #tpu.memory_space<semaphore_mem>>) attributes {dimension_semantics = [#tpu.dimension_semantics<core_parallel>, #tpu.dimension_semantics<subcore_parallel>], iteration_bounds = array<i64: 2, 16>, scalar_prefetch = 0 : i64, scratch_operands = 4 : i64, tpu.core_type = #tpu.core_type<sc_vector_subcore>, window_params = [{transform_indices = #map}, {transform_indices = #map1}, {transform_indices = #map}]} {
    %mul3A = arith.constant 2 : i32
    %mul3A_0 = arith.muli %arg1, %mul3A : i32
    %add3A = arith.addi %mul3A_0, %arg0 : i32
    %mul3A_1 = arith.constant 256 : i32
    %mul3A_2 = arith.muli %add3A, %mul3A_1 : i32
    %add3A_3 = arith.constant 8192 : i32
    %add3A_4 = arith.addi %add3A_3, %mul3A_2 : i32
    "tpu.region"() ({
      %run_scoped3A = tpu.sem_alloc : memref<!tpu.dma_semaphore, #tpu.memory_space<semaphore_mem>>
      %dma_start3A_79 = tpu.memref_slice %arg3[%add3A_4] : memref<16384xi32, #tpu.memory_space<hbm>> -> memref<256xi32, #tpu.memory_space<hbm>>
      %dma_start3A_80 = tpu.memref_slice %arg3[%add3A_4] : memref<16384xi32, #tpu.memory_space<hbm>> -> memref<256xi32, #tpu.memory_space<hbm>>
      tpu.enqueue_dma source(%dma_start3A_80 : memref<256xi32, #tpu.memory_space<hbm>>) target(%arg5 : memref<256xi32, #tpu.memory_space<vmem>>) target_semaphore(%run_scoped3A : memref<!tpu.dma_semaphore, #tpu.memory_space<semaphore_mem>>)
      %dma_wait3A_81 = tpu.memref_slice %arg3[%add3A_4] : memref<16384xi32, #tpu.memory_space<hbm>> -> memref<256xi32, #tpu.memory_space<hbm>>
      %dma_wait3A_82 = tpu.memref_slice %arg3[%add3A_4] : memref<16384xi32, #tpu.memory_space<hbm>> -> memref<256xi32, #tpu.memory_space<hbm>>
      tpu.wait_dma2 semaphore(%run_scoped3A : memref<!tpu.dma_semaphore, #tpu.memory_space<semaphore_mem>>) src(%dma_wait3A_82 : memref<256xi32, #tpu.memory_space<hbm>>) dst(%arg5 : memref<256xi32, #tpu.memory_space<vmem>>)
      tpu.yield
    }) : () -> ()
    %dma_start3A = arith.constant 0 : i32
    %dma_start3A_5 = arith.constant 0 : i32
    %dma_start3A_6 = tpu.memref_slice %arg6[%dma_start3A, %dma_start3A_5] : memref<256x128xf32, #tpu.memory_space<vmem>> -> memref<128x128xf32, #tpu.memory_space<vmem>>
    %dma_start3A_7 = arith.constant 0 : i32
    %dma_start3A_8 = tpu.memref_slice %arg5[%dma_start3A_7] : memref<256xi32, #tpu.memory_space<vmem>> -> memref<128xi32, #tpu.memory_space<vmem>>
    %dma_start3A_9 = arith.constant 0 : i32
    %dma_start3A_10 = arith.constant 0 : i32
    %dma_start3A_11 = tpu.memref_slice %arg2[%dma_start3A_9, %dma_start3A_10] : memref<100000x128xf32, #tpu.memory_space<hbm>> -> memref<100000x128xf32, #tpu.memory_space<hbm>>
    tpu.enqueue_indirect_dma source(%dma_start3A_11 : memref<100000x128xf32, #tpu.memory_space<hbm>>) target(%dma_start3A_6 : memref<128x128xf32, #tpu.memory_space<vmem>>) offsets(%dma_start3A_8 : memref<128xi32, #tpu.memory_space<vmem>>) semaphore(%arg7 : memref<!tpu.dma_semaphore, #tpu.memory_space<semaphore_mem>>)
    %dma_start3A_12 = arith.constant 128 : i32
    %dma_start3A_13 = arith.constant 0 : i32
    %dma_start3A_14 = tpu.memref_slice %arg6[%dma_start3A_12, %dma_start3A_13] : memref<256x128xf32, #tpu.memory_space<vmem>> -> memref<128x128xf32, #tpu.memory_space<vmem>>
    %dma_start3A_15 = arith.constant 128 : i32
    %dma_start3A_16 = tpu.memref_slice %arg5[%dma_start3A_15] : memref<256xi32, #tpu.memory_space<vmem>> -> memref<128xi32, #tpu.memory_space<vmem>>
    %dma_start3A_17 = arith.constant 0 : i32
    %dma_start3A_18 = arith.constant 0 : i32
    %dma_start3A_19 = tpu.memref_slice %arg2[%dma_start3A_17, %dma_start3A_18] : memref<100000x128xf32, #tpu.memory_space<hbm>> -> memref<100000x128xf32, #tpu.memory_space<hbm>>
    tpu.enqueue_indirect_dma source(%dma_start3A_19 : memref<100000x128xf32, #tpu.memory_space<hbm>>) target(%dma_start3A_14 : memref<128x128xf32, #tpu.memory_space<vmem>>) offsets(%dma_start3A_16 : memref<128xi32, #tpu.memory_space<vmem>>) semaphore(%arg7 : memref<!tpu.dma_semaphore, #tpu.memory_space<semaphore_mem>>)
    %dma_wait3A = arith.constant 0 : i32
    %dma_wait3A_20 = arith.constant 0 : i32
    %dma_wait3A_21 = tpu.memref_slice %arg6[%dma_wait3A, %dma_wait3A_20] : memref<256x128xf32, #tpu.memory_space<vmem>> -> memref<128x128xf32, #tpu.memory_space<vmem>>
    %dma_wait3A_22 = arith.constant 0 : i32
    %dma_wait3A_23 = tpu.memref_slice %arg5[%dma_wait3A_22] : memref<256xi32, #tpu.memory_space<vmem>> -> memref<128xi32, #tpu.memory_space<vmem>>
    %dma_wait3A_24 = arith.constant 0 : i32
    %dma_wait3A_25 = arith.constant 0 : i32
    %dma_wait3A_26 = tpu.memref_slice %arg2[%dma_wait3A_24, %dma_wait3A_25] : memref<100000x128xf32, #tpu.memory_space<hbm>> -> memref<100000x128xf32, #tpu.memory_space<hbm>>
    tpu.wait_indirect_dma semaphore(%arg7 : memref<!tpu.dma_semaphore, #tpu.memory_space<semaphore_mem>>) src(%dma_wait3A_26 : memref<100000x128xf32, #tpu.memory_space<hbm>>) dst(%dma_wait3A_21 : memref<128x128xf32, #tpu.memory_space<vmem>>)
    %add3A_27 = arith.constant 0 : i32
    %add3A_28 = arith.addi %mul3A_2, %add3A_27 : i32
    %dma_start3A_29 = arith.constant 0 : i32
    %dma_start3A_30 = arith.constant 0 : i32
    %dma_start3A_31 = tpu.memref_slice %arg6[%dma_start3A_29, %dma_start3A_30] : memref<256x128xf32, #tpu.memory_space<vmem>> -> memref<128x128xf32, #tpu.memory_space<vmem>>
    %dma_start3A_32 = arith.constant 0 : i32
    %dma_start3A_33 = tpu.memref_slice %arg4[%add3A_28, %dma_start3A_32] : memref<8192x128xf32, #tpu.memory_space<hbm>> -> memref<128x128xf32, #tpu.memory_space<hbm>>
    %dma_start3A_34 = arith.constant 0 : i32
    %dma_start3A_35 = tpu.memref_slice %arg4[%add3A_28, %dma_start3A_34] : memref<8192x128xf32, #tpu.memory_space<hbm>> -> memref<128x128xf32, #tpu.memory_space<hbm>>
    %dma_start3A_36 = arith.constant 0 : i32
    %dma_start3A_37 = arith.constant 0 : i32
    %dma_start3A_38 = tpu.memref_slice %arg6[%dma_start3A_36, %dma_start3A_37] : memref<256x128xf32, #tpu.memory_space<vmem>> -> memref<128x128xf32, #tpu.memory_space<vmem>>
    tpu.enqueue_dma source(%dma_start3A_38 : memref<128x128xf32, #tpu.memory_space<vmem>>) target(%dma_start3A_35 : memref<128x128xf32, #tpu.memory_space<hbm>>) target_semaphore(%arg8 : memref<!tpu.dma_semaphore, #tpu.memory_space<semaphore_mem>>)
    %dma_wait3A_39 = arith.constant 128 : i32
    %dma_wait3A_40 = arith.constant 0 : i32
    %dma_wait3A_41 = tpu.memref_slice %arg6[%dma_wait3A_39, %dma_wait3A_40] : memref<256x128xf32, #tpu.memory_space<vmem>> -> memref<128x128xf32, #tpu.memory_space<vmem>>
    %dma_wait3A_42 = arith.constant 128 : i32
    %dma_wait3A_43 = tpu.memref_slice %arg5[%dma_wait3A_42] : memref<256xi32, #tpu.memory_space<vmem>> -> memref<128xi32, #tpu.memory_space<vmem>>
    %dma_wait3A_44 = arith.constant 0 : i32
    %dma_wait3A_45 = arith.constant 0 : i32
    %dma_wait3A_46 = tpu.memref_slice %arg2[%dma_wait3A_44, %dma_wait3A_45] : memref<100000x128xf32, #tpu.memory_space<hbm>> -> memref<100000x128xf32, #tpu.memory_space<hbm>>
    tpu.wait_indirect_dma semaphore(%arg7 : memref<!tpu.dma_semaphore, #tpu.memory_space<semaphore_mem>>) src(%dma_wait3A_46 : memref<100000x128xf32, #tpu.memory_space<hbm>>) dst(%dma_wait3A_41 : memref<128x128xf32, #tpu.memory_space<vmem>>)
    %add3A_47 = arith.constant 128 : i32
    %add3A_48 = arith.addi %mul3A_2, %add3A_47 : i32
    %dma_start3A_49 = arith.constant 128 : i32
    %dma_start3A_50 = arith.constant 0 : i32
    %dma_start3A_51 = tpu.memref_slice %arg6[%dma_start3A_49, %dma_start3A_50] : memref<256x128xf32, #tpu.memory_space<vmem>> -> memref<128x128xf32, #tpu.memory_space<vmem>>
    %dma_start3A_52 = arith.constant 0 : i32
    %dma_start3A_53 = tpu.memref_slice %arg4[%add3A_48, %dma_start3A_52] : memref<8192x128xf32, #tpu.memory_space<hbm>> -> memref<128x128xf32, #tpu.memory_space<hbm>>
    %dma_start3A_54 = arith.constant 0 : i32
    %dma_start3A_55 = tpu.memref_slice %arg4[%add3A_48, %dma_start3A_54] : memref<8192x128xf32, #tpu.memory_space<hbm>> -> memref<128x128xf32, #tpu.memory_space<hbm>>
    %dma_start3A_56 = arith.constant 128 : i32
    %dma_start3A_57 = arith.constant 0 : i32
    %dma_start3A_58 = tpu.memref_slice %arg6[%dma_start3A_56, %dma_start3A_57] : memref<256x128xf32, #tpu.memory_space<vmem>> -> memref<128x128xf32, #tpu.memory_space<vmem>>
    tpu.enqueue_dma source(%dma_start3A_58 : memref<128x128xf32, #tpu.memory_space<vmem>>) target(%dma_start3A_55 : memref<128x128xf32, #tpu.memory_space<hbm>>) target_semaphore(%arg8 : memref<!tpu.dma_semaphore, #tpu.memory_space<semaphore_mem>>)
    %dma_wait3A_59 = arith.constant 0 : i32
    %dma_wait3A_60 = arith.constant 0 : i32
    %dma_wait3A_61 = tpu.memref_slice %arg6[%dma_wait3A_59, %dma_wait3A_60] : memref<256x128xf32, #tpu.memory_space<vmem>> -> memref<128x128xf32, #tpu.memory_space<vmem>>
    %dma_wait3A_62 = arith.constant 0 : i32
    %dma_wait3A_63 = tpu.memref_slice %arg4[%add3A_28, %dma_wait3A_62] : memref<8192x128xf32, #tpu.memory_space<hbm>> -> memref<128x128xf32, #tpu.memory_space<hbm>>
    %dma_wait3A_64 = arith.constant 0 : i32
    %dma_wait3A_65 = tpu.memref_slice %arg4[%add3A_28, %dma_wait3A_64] : memref<8192x128xf32, #tpu.memory_space<hbm>> -> memref<128x128xf32, #tpu.memory_space<hbm>>
    %dma_wait3A_66 = arith.constant 0 : i32
    %dma_wait3A_67 = arith.constant 0 : i32
    %dma_wait3A_68 = tpu.memref_slice %arg6[%dma_wait3A_66, %dma_wait3A_67] : memref<256x128xf32, #tpu.memory_space<vmem>> -> memref<128x128xf32, #tpu.memory_space<vmem>>
    tpu.wait_dma2 semaphore(%arg8 : memref<!tpu.dma_semaphore, #tpu.memory_space<semaphore_mem>>) src(%dma_wait3A_68 : memref<128x128xf32, #tpu.memory_space<vmem>>) dst(%dma_wait3A_65 : memref<128x128xf32, #tpu.memory_space<hbm>>)
    %dma_wait3A_69 = arith.constant 128 : i32
    %dma_wait3A_70 = arith.constant 0 : i32
    %dma_wait3A_71 = tpu.memref_slice %arg6[%dma_wait3A_69, %dma_wait3A_70] : memref<256x128xf32, #tpu.memory_space<vmem>> -> memref<128x128xf32, #tpu.memory_space<vmem>>
    %dma_wait3A_72 = arith.constant 0 : i32
    %dma_wait3A_73 = tpu.memref_slice %arg4[%add3A_48, %dma_wait3A_72] : memref<8192x128xf32, #tpu.memory_space<hbm>> -> memref<128x128xf32, #tpu.memory_space<hbm>>
    %dma_wait3A_74 = arith.constant 0 : i32
    %dma_wait3A_75 = tpu.memref_slice %arg4[%add3A_48, %dma_wait3A_74] : memref<8192x128xf32, #tpu.memory_space<hbm>> -> memref<128x128xf32, #tpu.memory_space<hbm>>
    %dma_wait3A_76 = arith.constant 128 : i32
    %dma_wait3A_77 = arith.constant 0 : i32
    %dma_wait3A_78 = tpu.memref_slice %arg6[%dma_wait3A_76, %dma_wait3A_77] : memref<256x128xf32, #tpu.memory_space<vmem>> -> memref<128x128xf32, #tpu.memory_space<vmem>>
    tpu.wait_dma2 semaphore(%arg8 : memref<!tpu.dma_semaphore, #tpu.memory_space<semaphore_mem>>) src(%dma_wait3A_78 : memref<128x128xf32, #tpu.memory_space<vmem>>) dst(%dma_wait3A_75 : memref<128x128xf32, #tpu.memory_space<hbm>>)
    return
  }
}

#map = affine_map<(d0, d1) -> (0, 0)>
#map1 = affine_map<(d0, d1) -> (0)>
module attributes {stable_mosaic.version = 14 : i64} {
  func.func @k(%arg0: i32, %arg1: i32, %arg2: memref<100000x128xf32, #tpu.memory_space<hbm>>, %arg3: memref<16384xi32, #tpu.memory_space<hbm>>, %arg4: memref<8192x128xf32, #tpu.memory_space<hbm>>, %arg5: memref<256xi32, #tpu.memory_space<vmem>>, %arg6: memref<256x128xf32, #tpu.memory_space<vmem>>, %arg7: memref<!tpu.dma_semaphore, #tpu.memory_space<semaphore_mem>>, %arg8: memref<!tpu.dma_semaphore, #tpu.memory_space<semaphore_mem>>) attributes {dimension_semantics = [#tpu.dimension_semantics<core_parallel>, #tpu.dimension_semantics<subcore_parallel>], iteration_bounds = array<i64: 2, 16>, scalar_prefetch = 0 : i64, scratch_operands = 4 : i64, tpu.core_type = #tpu.core_type<sc_vector_subcore>, window_params = [{transform_indices = #map}, {transform_indices = #map1}, {transform_indices = #map}]} {
    %mul3A = arith.constant 2 : i32
    %mul3A_0 = arith.muli %arg1, %mul3A : i32
    %add3A = arith.addi %mul3A_0, %arg0 : i32
    %mul3A_1 = arith.constant 256 : i32
    %mul3A_2 = arith.muli %add3A, %mul3A_1 : i32
    %add3A_3 = arith.constant 0 : i32
    %add3A_4 = arith.addi %add3A_3, %mul3A_2 : i32
    "tpu.region"() ({
      %run_scoped3A = tpu.sem_alloc : memref<!tpu.dma_semaphore, #tpu.memory_space<semaphore_mem>>
      %dma_start3A_79 = tpu.memref_slice %arg3[%add3A_4] : memref<16384xi32, #tpu.memory_space<hbm>> -> memref<256xi32, #tpu.memory_space<hbm>>
      %dma_start3A_80 = tpu.memref_slice %arg3[%add3A_4] : memref<16384xi32, #tpu.memory_space<hbm>> -> memref<256xi32, #tpu.memory_space<hbm>>
      tpu.enqueue_dma source(%dma_start3A_80 : memref<256xi32, #tpu.memory_space<hbm>>) target(%arg5 : memref<256xi32, #tpu.memory_space<vmem>>) target_semaphore(%run_scoped3A : memref<!tpu.dma_semaphore, #tpu.memory_space<semaphore_mem>>)
      %dma_wait3A_81 = tpu.memref_slice %arg3[%add3A_4] : memref<16384xi32, #tpu.memory_space<hbm>> -> memref<256xi32, #tpu.memory_space<hbm>>
      %dma_wait3A_82 = tpu.memref_slice %arg3[%add3A_4] : memref<16384xi32, #tpu.memory_space<hbm>> -> memref<256xi32, #tpu.memory_space<hbm>>
      tpu.wait_dma2 semaphore(%run_scoped3A : memref<!tpu.dma_semaphore, #tpu.memory_space<semaphore_mem>>) src(%dma_wait3A_82 : memref<256xi32, #tpu.memory_space<hbm>>) dst(%arg5 : memref<256xi32, #tpu.memory_space<vmem>>)
      tpu.yield
    }) : () -> ()
    %dma_start3A = arith.constant 0 : i32
    %dma_start3A_5 = arith.constant 0 : i32
    %dma_start3A_6 = tpu.memref_slice %arg6[%dma_start3A, %dma_start3A_5] : memref<256x128xf32, #tpu.memory_space<vmem>> -> memref<128x128xf32, #tpu.memory_space<vmem>>
    %dma_start3A_7 = arith.constant 0 : i32
    %dma_start3A_8 = tpu.memref_slice %arg5[%dma_start3A_7] : memref<256xi32, #tpu.memory_space<vmem>> -> memref<128xi32, #tpu.memory_space<vmem>>
    %dma_start3A_9 = arith.constant 0 : i32
    %dma_start3A_10 = arith.constant 0 : i32
    %dma_start3A_11 = tpu.memref_slice %arg2[%dma_start3A_9, %dma_start3A_10] : memref<100000x128xf32, #tpu.memory_space<hbm>> -> memref<100000x128xf32, #tpu.memory_space<hbm>>
    tpu.enqueue_indirect_dma source(%dma_start3A_11 : memref<100000x128xf32, #tpu.memory_space<hbm>>) target(%dma_start3A_6 : memref<128x128xf32, #tpu.memory_space<vmem>>) offsets(%dma_start3A_8 : memref<128xi32, #tpu.memory_space<vmem>>) semaphore(%arg7 : memref<!tpu.dma_semaphore, #tpu.memory_space<semaphore_mem>>)
    %dma_start3A_12 = arith.constant 128 : i32
    %dma_start3A_13 = arith.constant 0 : i32
    %dma_start3A_14 = tpu.memref_slice %arg6[%dma_start3A_12, %dma_start3A_13] : memref<256x128xf32, #tpu.memory_space<vmem>> -> memref<128x128xf32, #tpu.memory_space<vmem>>
    %dma_start3A_15 = arith.constant 128 : i32
    %dma_start3A_16 = tpu.memref_slice %arg5[%dma_start3A_15] : memref<256xi32, #tpu.memory_space<vmem>> -> memref<128xi32, #tpu.memory_space<vmem>>
    %dma_start3A_17 = arith.constant 0 : i32
    %dma_start3A_18 = arith.constant 0 : i32
    %dma_start3A_19 = tpu.memref_slice %arg2[%dma_start3A_17, %dma_start3A_18] : memref<100000x128xf32, #tpu.memory_space<hbm>> -> memref<100000x128xf32, #tpu.memory_space<hbm>>
    tpu.enqueue_indirect_dma source(%dma_start3A_19 : memref<100000x128xf32, #tpu.memory_space<hbm>>) target(%dma_start3A_14 : memref<128x128xf32, #tpu.memory_space<vmem>>) offsets(%dma_start3A_16 : memref<128xi32, #tpu.memory_space<vmem>>) semaphore(%arg7 : memref<!tpu.dma_semaphore, #tpu.memory_space<semaphore_mem>>)
    %dma_wait3A = arith.constant 0 : i32
    %dma_wait3A_20 = arith.constant 0 : i32
    %dma_wait3A_21 = tpu.memref_slice %arg6[%dma_wait3A, %dma_wait3A_20] : memref<256x128xf32, #tpu.memory_space<vmem>> -> memref<128x128xf32, #tpu.memory_space<vmem>>
    %dma_wait3A_22 = arith.constant 0 : i32
    %dma_wait3A_23 = tpu.memref_slice %arg5[%dma_wait3A_22] : memref<256xi32, #tpu.memory_space<vmem>> -> memref<128xi32, #tpu.memory_space<vmem>>
    %dma_wait3A_24 = arith.constant 0 : i32
    %dma_wait3A_25 = arith.constant 0 : i32
    %dma_wait3A_26 = tpu.memref_slice %arg2[%dma_wait3A_24, %dma_wait3A_25] : memref<100000x128xf32, #tpu.memory_space<hbm>> -> memref<100000x128xf32, #tpu.memory_space<hbm>>
    tpu.wait_indirect_dma semaphore(%arg7 : memref<!tpu.dma_semaphore, #tpu.memory_space<semaphore_mem>>) src(%dma_wait3A_26 : memref<100000x128xf32, #tpu.memory_space<hbm>>) dst(%dma_wait3A_21 : memref<128x128xf32, #tpu.memory_space<vmem>>)
    %add3A_27 = arith.constant 0 : i32
    %add3A_28 = arith.addi %mul3A_2, %add3A_27 : i32
    %dma_start3A_29 = arith.constant 0 : i32
    %dma_start3A_30 = arith.constant 0 : i32
    %dma_start3A_31 = tpu.memref_slice %arg6[%dma_start3A_29, %dma_start3A_30] : memref<256x128xf32, #tpu.memory_space<vmem>> -> memref<128x128xf32, #tpu.memory_space<vmem>>
    %dma_start3A_32 = arith.constant 0 : i32
    %dma_start3A_33 = tpu.memref_slice %arg4[%add3A_28, %dma_start3A_32] : memref<8192x128xf32, #tpu.memory_space<hbm>> -> memref<128x128xf32, #tpu.memory_space<hbm>>
    %dma_start3A_34 = arith.constant 0 : i32
    %dma_start3A_35 = tpu.memref_slice %arg4[%add3A_28, %dma_start3A_34] : memref<8192x128xf32, #tpu.memory_space<hbm>> -> memref<128x128xf32, #tpu.memory_space<hbm>>
    %dma_start3A_36 = arith.constant 0 : i32
    %dma_start3A_37 = arith.constant 0 : i32
    %dma_start3A_38 = tpu.memref_slice %arg6[%dma_start3A_36, %dma_start3A_37] : memref<256x128xf32, #tpu.memory_space<vmem>> -> memref<128x128xf32, #tpu.memory_space<vmem>>
    tpu.enqueue_dma source(%dma_start3A_38 : memref<128x128xf32, #tpu.memory_space<vmem>>) target(%dma_start3A_35 : memref<128x128xf32, #tpu.memory_space<hbm>>) target_semaphore(%arg8 : memref<!tpu.dma_semaphore, #tpu.memory_space<semaphore_mem>>)
    %dma_wait3A_39 = arith.constant 128 : i32
    %dma_wait3A_40 = arith.constant 0 : i32
    %dma_wait3A_41 = tpu.memref_slice %arg6[%dma_wait3A_39, %dma_wait3A_40] : memref<256x128xf32, #tpu.memory_space<vmem>> -> memref<128x128xf32, #tpu.memory_space<vmem>>
    %dma_wait3A_42 = arith.constant 128 : i32
    %dma_wait3A_43 = tpu.memref_slice %arg5[%dma_wait3A_42] : memref<256xi32, #tpu.memory_space<vmem>> -> memref<128xi32, #tpu.memory_space<vmem>>
    %dma_wait3A_44 = arith.constant 0 : i32
    %dma_wait3A_45 = arith.constant 0 : i32
    %dma_wait3A_46 = tpu.memref_slice %arg2[%dma_wait3A_44, %dma_wait3A_45] : memref<100000x128xf32, #tpu.memory_space<hbm>> -> memref<100000x128xf32, #tpu.memory_space<hbm>>
    tpu.wait_indirect_dma semaphore(%arg7 : memref<!tpu.dma_semaphore, #tpu.memory_space<semaphore_mem>>) src(%dma_wait3A_46 : memref<100000x128xf32, #tpu.memory_space<hbm>>) dst(%dma_wait3A_41 : memref<128x128xf32, #tpu.memory_space<vmem>>)
    %add3A_47 = arith.constant 128 : i32
    %add3A_48 = arith.addi %mul3A_2, %add3A_47 : i32
    %dma_start3A_49 = arith.constant 128 : i32
    %dma_start3A_50 = arith.constant 0 : i32
    %dma_start3A_51 = tpu.memref_slice %arg6[%dma_start3A_49, %dma_start3A_50] : memref<256x128xf32, #tpu.memory_space<vmem>> -> memref<128x128xf32, #tpu.memory_space<vmem>>
    %dma_start3A_52 = arith.constant 0 : i32
    %dma_start3A_53 = tpu.memref_slice %arg4[%add3A_48, %dma_start3A_52] : memref<8192x128xf32, #tpu.memory_space<hbm>> -> memref<128x128xf32, #tpu.memory_space<hbm>>
    %dma_start3A_54 = arith.constant 0 : i32
    %dma_start3A_55 = tpu.memref_slice %arg4[%add3A_48, %dma_start3A_54] : memref<8192x128xf32, #tpu.memory_space<hbm>> -> memref<128x128xf32, #tpu.memory_space<hbm>>
    %dma_start3A_56 = arith.constant 128 : i32
    %dma_start3A_57 = arith.constant 0 : i32
    %dma_start3A_58 = tpu.memref_slice %arg6[%dma_start3A_56, %dma_start3A_57] : memref<256x128xf32, #tpu.memory_space<vmem>> -> memref<128x128xf32, #tpu.memory_space<vmem>>
    tpu.enqueue_dma source(%dma_start3A_58 : memref<128x128xf32, #tpu.memory_space<vmem>>) target(%dma_start3A_55 : memref<128x128xf32, #tpu.memory_space<hbm>>) target_semaphore(%arg8 : memref<!tpu.dma_semaphore, #tpu.memory_space<semaphore_mem>>)
    %dma_wait3A_59 = arith.constant 0 : i32
    %dma_wait3A_60 = arith.constant 0 : i32
    %dma_wait3A_61 = tpu.memref_slice %arg6[%dma_wait3A_59, %dma_wait3A_60] : memref<256x128xf32, #tpu.memory_space<vmem>> -> memref<128x128xf32, #tpu.memory_space<vmem>>
    %dma_wait3A_62 = arith.constant 0 : i32
    %dma_wait3A_63 = tpu.memref_slice %arg4[%add3A_28, %dma_wait3A_62] : memref<8192x128xf32, #tpu.memory_space<hbm>> -> memref<128x128xf32, #tpu.memory_space<hbm>>
    %dma_wait3A_64 = arith.constant 0 : i32
    %dma_wait3A_65 = tpu.memref_slice %arg4[%add3A_28, %dma_wait3A_64] : memref<8192x128xf32, #tpu.memory_space<hbm>> -> memref<128x128xf32, #tpu.memory_space<hbm>>
    %dma_wait3A_66 = arith.constant 0 : i32
    %dma_wait3A_67 = arith.constant 0 : i32
    %dma_wait3A_68 = tpu.memref_slice %arg6[%dma_wait3A_66, %dma_wait3A_67] : memref<256x128xf32, #tpu.memory_space<vmem>> -> memref<128x128xf32, #tpu.memory_space<vmem>>
    tpu.wait_dma2 semaphore(%arg8 : memref<!tpu.dma_semaphore, #tpu.memory_space<semaphore_mem>>) src(%dma_wait3A_68 : memref<128x128xf32, #tpu.memory_space<vmem>>) dst(%dma_wait3A_65 : memref<128x128xf32, #tpu.memory_space<hbm>>)
    %dma_wait3A_69 = arith.constant 128 : i32
    %dma_wait3A_70 = arith.constant 0 : i32
    %dma_wait3A_71 = tpu.memref_slice %arg6[%dma_wait3A_69, %dma_wait3A_70] : memref<256x128xf32, #tpu.memory_space<vmem>> -> memref<128x128xf32, #tpu.memory_space<vmem>>
    %dma_wait3A_72 = arith.constant 0 : i32
    %dma_wait3A_73 = tpu.memref_slice %arg4[%add3A_48, %dma_wait3A_72] : memref<8192x128xf32, #tpu.memory_space<hbm>> -> memref<128x128xf32, #tpu.memory_space<hbm>>
    %dma_wait3A_74 = arith.constant 0 : i32
    %dma_wait3A_75 = tpu.memref_slice %arg4[%add3A_48, %dma_wait3A_74] : memref<8192x128xf32, #tpu.memory_space<hbm>> -> memref<128x128xf32, #tpu.memory_space<hbm>>
    %dma_wait3A_76 = arith.constant 128 : i32
    %dma_wait3A_77 = arith.constant 0 : i32
    %dma_wait3A_78 = tpu.memref_slice %arg6[%dma_wait3A_76, %dma_wait3A_77] : memref<256x128xf32, #tpu.memory_space<vmem>> -> memref<128x128xf32, #tpu.memory_space<vmem>>
    tpu.wait_dma2 semaphore(%arg8 : memref<!tpu.dma_semaphore, #tpu.memory_space<semaphore_mem>>) src(%dma_wait3A_78 : memref<128x128xf32, #tpu.memory_space<vmem>>) dst(%dma_wait3A_75 : memref<128x128xf32, #tpu.memory_space<hbm>>)
    return
  }
}

module attributes {stable_mosaic.version = 14 : i64} {
  func.func @_tc_body_chain(%arg0: i32, %arg1: memref<1xf32, #tpu.memory_space<smem>>, %arg2: memref<2048xi32, #tpu.memory_space<vmem>>, %arg3: memref<2048x128xf32, #tpu.memory_space<vmem>>, %arg4: memref<128x1xf32, #tpu.memory_space<vmem>>, %arg5: memref<1x1x16384xf32, #tpu.memory_space<any>>, %arg6: memref<1x1x2048xf32, #tpu.memory_space<vmem>>) attributes {dimension_semantics = [#tpu.dimension_semantics<parallel>], iteration_bounds = array<i64: 4>, scalar_prefetch = 0 : i64, scratch_operands = 0 : i64, tpu.core_type = #tpu.core_type<tc>, window_params = [{transform_indices = @transform_0, window_bounds = array<i64: 1>}, {transform_indices = @transform_1, window_bounds = array<i64: 2048>}, {transform_indices = @transform_2, window_bounds = array<i64: 2048, 128>}, {pipeline_mode = #tpu.pipeline_mode<synchronous>, transform_indices = @transform_3, window_bounds = array<i64: 128, 1>}, {}, {transform_indices = @transform_5, window_bounds = array<i64: 1, 1, 2048>}]} {
    %get3A = arith.constant 0 : index
    %get3A_0 = vector.load %arg2[%get3A] : memref<2048xi32, #tpu.memory_space<vmem>>, vector<2048xi32>
    %reshape3A = vector.shape_cast %get3A_0 : vector<2048xi32> to vector<1x2048xi32>
    %get3A_1 = arith.constant 0 : index
    %get3A_2 = arith.constant 0 : index
    %get3A_3 = vector.load %arg3[%get3A_1, %get3A_2] : memref<2048x128xf32, #tpu.memory_space<vmem>>, vector<2048x128xf32>
    %transpose3A = tpu.transpose %get3A_3, [1, 0] : vector<2048x128xf32> -> vector<128x2048xf32>
    %get3A_4 = arith.constant 0 : index
    %get3A_5 = arith.constant 0 : index
    %get3A_6 = vector.load %arg4[%get3A_4, %get3A_5] : memref<128x1xf32, #tpu.memory_space<vmem>>, vector<128x1xf32>
    %iota3A = tpu.iota {dimensions = array<i32: 0>} : vector<128x2048xi32>
    %mul3A = arith.constant 128 : i32
    %mul3A_7 = vector.broadcast %mul3A : i32 to vector<1x2048xi32>
    %mul3A_8 = arith.muli %reshape3A, %mul3A_7 : vector<1x2048xi32>
    %broadcast_in_dim3A = vector.shape_cast %mul3A_8 : vector<1x2048xi32> to vector<1x2048xi32>
    %broadcast_in_dim3A_9 = vector.broadcast %broadcast_in_dim3A : vector<1x2048xi32> to vector<128x2048xi32>
    %add3A = arith.addi %broadcast_in_dim3A_9, %iota3A : vector<128x2048xi32>
    %broadcast_in_dim3A_10 = arith.constant 0 : i32
    %broadcast_in_dim3A_11 = vector.broadcast %broadcast_in_dim3A_10 : i32 to vector<128x2048xi32>
    %add3A_12 = arith.constant 1 : i32
    %add3A_13 = vector.broadcast %add3A_12 : i32 to vector<128x2048xi32>
    %add3A_14 = arith.addi %add3A, %add3A_13 : vector<128x2048xi32>
    %add3A_15 = arith.addi %broadcast_in_dim3A_11, %add3A_14 : vector<128x2048xi32>
    %shift_left3A = arith.constant 13 : i32
    %shift_left3A_16 = vector.broadcast %shift_left3A : i32 to vector<128x2048xi32>
    %shift_left3A_17 = arith.shli %add3A_14, %shift_left3A_16 : vector<128x2048xi32>
    %shift_right_logical3A = arith.constant 19 : i32
    %shift_right_logical3A_18 = vector.broadcast %shift_right_logical3A : i32 to vector<128x2048xi32>
    %shift_right_logical3A_19 = arith.shrui %add3A_14, %shift_right_logical3A_18 : vector<128x2048xi32>
    %or3A = arith.ori %shift_left3A_17, %shift_right_logical3A_19 : vector<128x2048xi32>
    %xor3A = arith.xori %or3A, %add3A_15 : vector<128x2048xi32>
    %add3A_20 = arith.addi %add3A_15, %xor3A : vector<128x2048xi32>
    %shift_left3A_21 = arith.constant 15 : i32
    %shift_left3A_22 = vector.broadcast %shift_left3A_21 : i32 to vector<128x2048xi32>
    %shift_left3A_23 = arith.shli %xor3A, %shift_left3A_22 : vector<128x2048xi32>
    %shift_right_logical3A_24 = arith.constant 17 : i32
    %shift_right_logical3A_25 = vector.broadcast %shift_right_logical3A_24 : i32 to vector<128x2048xi32>
    %shift_right_logical3A_26 = arith.shrui %xor3A, %shift_right_logical3A_25 : vector<128x2048xi32>
    %or3A_27 = arith.ori %shift_left3A_23, %shift_right_logical3A_26 : vector<128x2048xi32>
    %xor3A_28 = arith.xori %or3A_27, %add3A_20 : vector<128x2048xi32>
    %add3A_29 = arith.addi %add3A_20, %xor3A_28 : vector<128x2048xi32>
    %shift_left3A_30 = arith.constant 26 : i32
    %shift_left3A_31 = vector.broadcast %shift_left3A_30 : i32 to vector<128x2048xi32>
    %shift_left3A_32 = arith.shli %xor3A_28, %shift_left3A_31 : vector<128x2048xi32>
    %shift_right_logical3A_33 = arith.constant 6 : i32
    %shift_right_logical3A_34 = vector.broadcast %shift_right_logical3A_33 : i32 to vector<128x2048xi32>
    %shift_right_logical3A_35 = arith.shrui %xor3A_28, %shift_right_logical3A_34 : vector<128x2048xi32>
    %or3A_36 = arith.ori %shift_left3A_32, %shift_right_logical3A_35 : vector<128x2048xi32>
    %xor3A_37 = arith.xori %or3A_36, %add3A_29 : vector<128x2048xi32>
    %add3A_38 = arith.addi %add3A_29, %xor3A_37 : vector<128x2048xi32>
    %shift_left3A_39 = arith.constant 6 : i32
    %shift_left3A_40 = vector.broadcast %shift_left3A_39 : i32 to vector<128x2048xi32>
    %shift_left3A_41 = arith.shli %xor3A_37, %shift_left3A_40 : vector<128x2048xi32>
    %shift_right_logical3A_42 = arith.constant 26 : i32
    %shift_right_logical3A_43 = vector.broadcast %shift_right_logical3A_42 : i32 to vector<128x2048xi32>
    %shift_right_logical3A_44 = arith.shrui %xor3A_37, %shift_right_logical3A_43 : vector<128x2048xi32>
    %or3A_45 = arith.ori %shift_left3A_41, %shift_right_logical3A_44 : vector<128x2048xi32>
    %xor3A_46 = arith.xori %or3A_45, %add3A_38 : vector<128x2048xi32>
    %add3A_47 = arith.constant 1 : i32
    %add3A_48 = vector.broadcast %add3A_47 : i32 to vector<128x2048xi32>
    %add3A_49 = arith.addi %add3A_38, %add3A_48 : vector<128x2048xi32>
    %add3A_50 = arith.constant 466688987 : i32
    %add3A_51 = vector.broadcast %add3A_50 : i32 to vector<128x2048xi32>
    %add3A_52 = arith.addi %xor3A_46, %add3A_51 : vector<128x2048xi32>
    %add3A_53 = arith.constant 1 : i32
    %add3A_54 = vector.broadcast %add3A_53 : i32 to vector<128x2048xi32>
    %add3A_55 = arith.addi %add3A_52, %add3A_54 : vector<128x2048xi32>
    %add3A_56 = arith.addi %add3A_49, %add3A_55 : vector<128x2048xi32>
    %shift_left3A_57 = arith.constant 17 : i32
    %shift_left3A_58 = vector.broadcast %shift_left3A_57 : i32 to vector<128x2048xi32>
    %shift_left3A_59 = arith.shli %add3A_55, %shift_left3A_58 : vector<128x2048xi32>
    %shift_right_logical3A_60 = arith.constant 15 : i32
    %shift_right_logical3A_61 = vector.broadcast %shift_right_logical3A_60 : i32 to vector<128x2048xi32>
    %shift_right_logical3A_62 = arith.shrui %add3A_55, %shift_right_logical3A_61 : vector<128x2048xi32>
    %or3A_63 = arith.ori %shift_left3A_59, %shift_right_logical3A_62 : vector<128x2048xi32>
    %xor3A_64 = arith.xori %or3A_63, %add3A_56 : vector<128x2048xi32>
    %add3A_65 = arith.addi %add3A_56, %xor3A_64 : vector<128x2048xi32>
    %shift_left3A_66 = arith.constant 29 : i32
    %shift_left3A_67 = vector.broadcast %shift_left3A_66 : i32 to vector<128x2048xi32>
    %shift_left3A_68 = arith.shli %xor3A_64, %shift_left3A_67 : vector<128x2048xi32>
    %shift_right_logical3A_69 = arith.constant 3 : i32
    %shift_right_logical3A_70 = vector.broadcast %shift_right_logical3A_69 : i32 to vector<128x2048xi32>
    %shift_right_logical3A_71 = arith.shrui %xor3A_64, %shift_right_logical3A_70 : vector<128x2048xi32>
    %or3A_72 = arith.ori %shift_left3A_68, %shift_right_logical3A_71 : vector<128x2048xi32>
    %xor3A_73 = arith.xori %or3A_72, %add3A_65 : vector<128x2048xi32>
    %add3A_74 = arith.addi %add3A_65, %xor3A_73 : vector<128x2048xi32>
    %shift_left3A_75 = arith.constant 16 : i32
    %shift_left3A_76 = vector.broadcast %shift_left3A_75 : i32 to vector<128x2048xi32>
    %shift_left3A_77 = arith.shli %xor3A_73, %shift_left3A_76 : vector<128x2048xi32>
    %shift_right_logical3A_78 = arith.constant 16 : i32
    %shift_right_logical3A_79 = vector.broadcast %shift_right_logical3A_78 : i32 to vector<128x2048xi32>
    %shift_right_logical3A_80 = arith.shrui %xor3A_73, %shift_right_logical3A_79 : vector<128x2048xi32>
    %or3A_81 = arith.ori %shift_left3A_77, %shift_right_logical3A_80 : vector<128x2048xi32>
    %xor3A_82 = arith.xori %or3A_81, %add3A_74 : vector<128x2048xi32>
    %add3A_83 = arith.addi %add3A_74, %xor3A_82 : vector<128x2048xi32>
    %shift_left3A_84 = arith.constant 24 : i32
    %shift_left3A_85 = vector.broadcast %shift_left3A_84 : i32 to vector<128x2048xi32>
    %shift_left3A_86 = arith.shli %xor3A_82, %shift_left3A_85 : vector<128x2048xi32>
    %shift_right_logical3A_87 = arith.constant 8 : i32
    %shift_right_logical3A_88 = vector.broadcast %shift_right_logical3A_87 : i32 to vector<128x2048xi32>
    %shift_right_logical3A_89 = arith.shrui %xor3A_82, %shift_right_logical3A_88 : vector<128x2048xi32>
    %or3A_90 = arith.ori %shift_left3A_86, %shift_right_logical3A_89 : vector<128x2048xi32>
    %xor3A_91 = arith.xori %or3A_90, %add3A_83 : vector<128x2048xi32>
    %add3A_92 = arith.constant 466688987 : i32
    %add3A_93 = vector.broadcast %add3A_92 : i32 to vector<128x2048xi32>
    %add3A_94 = arith.addi %add3A_83, %add3A_93 : vector<128x2048xi32>
    %add3A_95 = arith.constant 0 : i32
    %add3A_96 = vector.broadcast %add3A_95 : i32 to vector<128x2048xi32>
    %add3A_97 = arith.addi %xor3A_91, %add3A_96 : vector<128x2048xi32>
    %add3A_98 = arith.constant 2 : i32
    %add3A_99 = vector.broadcast %add3A_98 : i32 to vector<128x2048xi32>
    %add3A_100 = arith.addi %add3A_97, %add3A_99 : vector<128x2048xi32>
    %add3A_101 = arith.addi %add3A_94, %add3A_100 : vector<128x2048xi32>
    %shift_left3A_102 = arith.constant 13 : i32
    %shift_left3A_103 = vector.broadcast %shift_left3A_102 : i32 to vector<128x2048xi32>
    %shift_left3A_104 = arith.shli %add3A_100, %shift_left3A_103 : vector<128x2048xi32>
    %shift_right_logical3A_105 = arith.constant 19 : i32
    %shift_right_logical3A_106 = vector.broadcast %shift_right_logical3A_105 : i32 to vector<128x2048xi32>
    %shift_right_logical3A_107 = arith.shrui %add3A_100, %shift_right_logical3A_106 : vector<128x2048xi32>
    %or3A_108 = arith.ori %shift_left3A_104, %shift_right_logical3A_107 : vector<128x2048xi32>
    %xor3A_109 = arith.xori %or3A_108, %add3A_101 : vector<128x2048xi32>
    %add3A_110 = arith.addi %add3A_101, %xor3A_109 : vector<128x2048xi32>
    %shift_left3A_111 = arith.constant 15 : i32
    %shift_left3A_112 = vector.broadcast %shift_left3A_111 : i32 to vector<128x2048xi32>
    %shift_left3A_113 = arith.shli %xor3A_109, %shift_left3A_112 : vector<128x2048xi32>
    %shift_right_logical3A_114 = arith.constant 17 : i32
    %shift_right_logical3A_115 = vector.broadcast %shift_right_logical3A_114 : i32 to vector<128x2048xi32>
    %shift_right_logical3A_116 = arith.shrui %xor3A_109, %shift_right_logical3A_115 : vector<128x2048xi32>
    %or3A_117 = arith.ori %shift_left3A_113, %shift_right_logical3A_116 : vector<128x2048xi32>
    %xor3A_118 = arith.xori %or3A_117, %add3A_110 : vector<128x2048xi32>
    %add3A_119 = arith.addi %add3A_110, %xor3A_118 : vector<128x2048xi32>
    %shift_left3A_120 = arith.constant 26 : i32
    %shift_left3A_121 = vector.broadcast %shift_left3A_120 : i32 to vector<128x2048xi32>
    %shift_left3A_122 = arith.shli %xor3A_118, %shift_left3A_121 : vector<128x2048xi32>
    %shift_right_logical3A_123 = arith.constant 6 : i32
    %shift_right_logical3A_124 = vector.broadcast %shift_right_logical3A_123 : i32 to vector<128x2048xi32>
    %shift_right_logical3A_125 = arith.shrui %xor3A_118, %shift_right_logical3A_124 : vector<128x2048xi32>
    %or3A_126 = arith.ori %shift_left3A_122, %shift_right_logical3A_125 : vector<128x2048xi32>
    %xor3A_127 = arith.xori %or3A_126, %add3A_119 : vector<128x2048xi32>
    %add3A_128 = arith.addi %add3A_119, %xor3A_127 : vector<128x2048xi32>
    %shift_left3A_129 = arith.constant 6 : i32
    %shift_left3A_130 = vector.broadcast %shift_left3A_129 : i32 to vector<128x2048xi32>
    %shift_left3A_131 = arith.shli %xor3A_127, %shift_left3A_130 : vector<128x2048xi32>
    %shift_right_logical3A_132 = arith.constant 26 : i32
    %shift_right_logical3A_133 = vector.broadcast %shift_right_logical3A_132 : i32 to vector<128x2048xi32>
    %shift_right_logical3A_134 = arith.shrui %xor3A_127, %shift_right_logical3A_133 : vector<128x2048xi32>
    %or3A_135 = arith.ori %shift_left3A_131, %shift_right_logical3A_134 : vector<128x2048xi32>
    %xor3A_136 = arith.xori %or3A_135, %add3A_128 : vector<128x2048xi32>
    %add3A_137 = arith.constant 0 : i32
    %add3A_138 = vector.broadcast %add3A_137 : i32 to vector<128x2048xi32>
    %add3A_139 = arith.addi %add3A_128, %add3A_138 : vector<128x2048xi32>
    %add3A_140 = arith.constant 1 : i32
    %add3A_141 = vector.broadcast %add3A_140 : i32 to vector<128x2048xi32>
    %add3A_142 = arith.addi %xor3A_136, %add3A_141 : vector<128x2048xi32>
    %add3A_143 = arith.constant 3 : i32
    %add3A_144 = vector.broadcast %add3A_143 : i32 to vector<128x2048xi32>
    %add3A_145 = arith.addi %add3A_142, %add3A_144 : vector<128x2048xi32>
    %add3A_146 = arith.addi %add3A_139, %add3A_145 : vector<128x2048xi32>
    %shift_left3A_147 = arith.constant 17 : i32
    %shift_left3A_148 = vector.broadcast %shift_left3A_147 : i32 to vector<128x2048xi32>
    %shift_left3A_149 = arith.shli %add3A_145, %shift_left3A_148 : vector<128x2048xi32>
    %shift_right_logical3A_150 = arith.constant 15 : i32
    %shift_right_logical3A_151 = vector.broadcast %shift_right_logical3A_150 : i32 to vector<128x2048xi32>
    %shift_right_logical3A_152 = arith.shrui %add3A_145, %shift_right_logical3A_151 : vector<128x2048xi32>
    %or3A_153 = arith.ori %shift_left3A_149, %shift_right_logical3A_152 : vector<128x2048xi32>
    %xor3A_154 = arith.xori %or3A_153, %add3A_146 : vector<128x2048xi32>
    %add3A_155 = arith.addi %add3A_146, %xor3A_154 : vector<128x2048xi32>
    %shift_left3A_156 = arith.constant 29 : i32
    %shift_left3A_157 = vector.broadcast %shift_left3A_156 : i32 to vector<128x2048xi32>
    %shift_left3A_158 = arith.shli %xor3A_154, %shift_left3A_157 : vector<128x2048xi32>
    %shift_right_logical3A_159 = arith.constant 3 : i32
    %shift_right_logical3A_160 = vector.broadcast %shift_right_logical3A_159 : i32 to vector<128x2048xi32>
    %shift_right_logical3A_161 = arith.shrui %xor3A_154, %shift_right_logical3A_160 : vector<128x2048xi32>
    %or3A_162 = arith.ori %shift_left3A_158, %shift_right_logical3A_161 : vector<128x2048xi32>
    %xor3A_163 = arith.xori %or3A_162, %add3A_155 : vector<128x2048xi32>
    %add3A_164 = arith.addi %add3A_155, %xor3A_163 : vector<128x2048xi32>
    %shift_left3A_165 = arith.constant 16 : i32
    %shift_left3A_166 = vector.broadcast %shift_left3A_165 : i32 to vector<128x2048xi32>
    %shift_left3A_167 = arith.shli %xor3A_163, %shift_left3A_166 : vector<128x2048xi32>
    %shift_right_logical3A_168 = arith.constant 16 : i32
    %shift_right_logical3A_169 = vector.broadcast %shift_right_logical3A_168 : i32 to vector<128x2048xi32>
    %shift_right_logical3A_170 = arith.shrui %xor3A_163, %shift_right_logical3A_169 : vector<128x2048xi32>
    %or3A_171 = arith.ori %shift_left3A_167, %shift_right_logical3A_170 : vector<128x2048xi32>
    %xor3A_172 = arith.xori %or3A_171, %add3A_164 : vector<128x2048xi32>
    %add3A_173 = arith.addi %add3A_164, %xor3A_172 : vector<128x2048xi32>
    %shift_left3A_174 = arith.constant 24 : i32
    %shift_left3A_175 = vector.broadcast %shift_left3A_174 : i32 to vector<128x2048xi32>
    %shift_left3A_176 = arith.shli %xor3A_172, %shift_left3A_175 : vector<128x2048xi32>
    %shift_right_logical3A_177 = arith.constant 8 : i32
    %shift_right_logical3A_178 = vector.broadcast %shift_right_logical3A_177 : i32 to vector<128x2048xi32>
    %shift_right_logical3A_179 = arith.shrui %xor3A_172, %shift_right_logical3A_178 : vector<128x2048xi32>
    %or3A_180 = arith.ori %shift_left3A_176, %shift_right_logical3A_179 : vector<128x2048xi32>
    %xor3A_181 = arith.xori %or3A_180, %add3A_173 : vector<128x2048xi32>
    %add3A_182 = arith.constant 1 : i32
    %add3A_183 = vector.broadcast %add3A_182 : i32 to vector<128x2048xi32>
    %add3A_184 = arith.addi %add3A_173, %add3A_183 : vector<128x2048xi32>
    %add3A_185 = arith.constant 466688987 : i32
    %add3A_186 = vector.broadcast %add3A_185 : i32 to vector<128x2048xi32>
    %add3A_187 = arith.addi %xor3A_181, %add3A_186 : vector<128x2048xi32>
    %add3A_188 = arith.constant 4 : i32
    %add3A_189 = vector.broadcast %add3A_188 : i32 to vector<128x2048xi32>
    %add3A_190 = arith.addi %add3A_187, %add3A_189 : vector<128x2048xi32>
    %add3A_191 = arith.addi %add3A_184, %add3A_190 : vector<128x2048xi32>
    %shift_left3A_192 = arith.constant 13 : i32
    %shift_left3A_193 = vector.broadcast %shift_left3A_192 : i32 to vector<128x2048xi32>
    %shift_left3A_194 = arith.shli %add3A_190, %shift_left3A_193 : vector<128x2048xi32>
    %shift_right_logical3A_195 = arith.constant 19 : i32
    %shift_right_logical3A_196 = vector.broadcast %shift_right_logical3A_195 : i32 to vector<128x2048xi32>
    %shift_right_logical3A_197 = arith.shrui %add3A_190, %shift_right_logical3A_196 : vector<128x2048xi32>
    %or3A_198 = arith.ori %shift_left3A_194, %shift_right_logical3A_197 : vector<128x2048xi32>
    %xor3A_199 = arith.xori %or3A_198, %add3A_191 : vector<128x2048xi32>
    %add3A_200 = arith.addi %add3A_191, %xor3A_199 : vector<128x2048xi32>
    %shift_left3A_201 = arith.constant 15 : i32
    %shift_left3A_202 = vector.broadcast %shift_left3A_201 : i32 to vector<128x2048xi32>
    %shift_left3A_203 = arith.shli %xor3A_199, %shift_left3A_202 : vector<128x2048xi32>
    %shift_right_logical3A_204 = arith.constant 17 : i32
    %shift_right_logical3A_205 = vector.broadcast %shift_right_logical3A_204 : i32 to vector<128x2048xi32>
    %shift_right_logical3A_206 = arith.shrui %xor3A_199, %shift_right_logical3A_205 : vector<128x2048xi32>
    %or3A_207 = arith.ori %shift_left3A_203, %shift_right_logical3A_206 : vector<128x2048xi32>
    %xor3A_208 = arith.xori %or3A_207, %add3A_200 : vector<128x2048xi32>
    %add3A_209 = arith.addi %add3A_200, %xor3A_208 : vector<128x2048xi32>
    %shift_left3A_210 = arith.constant 26 : i32
    %shift_left3A_211 = vector.broadcast %shift_left3A_210 : i32 to vector<128x2048xi32>
    %shift_left3A_212 = arith.shli %xor3A_208, %shift_left3A_211 : vector<128x2048xi32>
    %shift_right_logical3A_213 = arith.constant 6 : i32
    %shift_right_logical3A_214 = vector.broadcast %shift_right_logical3A_213 : i32 to vector<128x2048xi32>
    %shift_right_logical3A_215 = arith.shrui %xor3A_208, %shift_right_logical3A_214 : vector<128x2048xi32>
    %or3A_216 = arith.ori %shift_left3A_212, %shift_right_logical3A_215 : vector<128x2048xi32>
    %xor3A_217 = arith.xori %or3A_216, %add3A_209 : vector<128x2048xi32>
    %add3A_218 = arith.addi %add3A_209, %xor3A_217 : vector<128x2048xi32>
    %shift_left3A_219 = arith.constant 6 : i32
    %shift_left3A_220 = vector.broadcast %shift_left3A_219 : i32 to vector<128x2048xi32>
    %shift_left3A_221 = arith.shli %xor3A_217, %shift_left3A_220 : vector<128x2048xi32>
    %shift_right_logical3A_222 = arith.constant 26 : i32
    %shift_right_logical3A_223 = vector.broadcast %shift_right_logical3A_222 : i32 to vector<128x2048xi32>
    %shift_right_logical3A_224 = arith.shrui %xor3A_217, %shift_right_logical3A_223 : vector<128x2048xi32>
    %or3A_225 = arith.ori %shift_left3A_221, %shift_right_logical3A_224 : vector<128x2048xi32>
    %xor3A_226 = arith.xori %or3A_225, %add3A_218 : vector<128x2048xi32>
    %add3A_227 = arith.constant 466688987 : i32
    %add3A_228 = vector.broadcast %add3A_227 : i32 to vector<128x2048xi32>
    %add3A_229 = arith.addi %add3A_218, %add3A_228 : vector<128x2048xi32>
    %add3A_230 = arith.constant 0 : i32
    %add3A_231 = vector.broadcast %add3A_230 : i32 to vector<128x2048xi32>
    %add3A_232 = arith.addi %xor3A_226, %add3A_231 : vector<128x2048xi32>
    %add3A_233 = arith.constant 5 : i32
    %add3A_234 = vector.broadcast %add3A_233 : i32 to vector<128x2048xi32>
    %add3A_235 = arith.addi %add3A_232, %add3A_234 : vector<128x2048xi32>
    %xor3A_236 = arith.xori %add3A_229, %add3A_235 : vector<128x2048xi32>
    %shift_right_logical3A_237 = arith.constant 9 : i32
    %shift_right_logical3A_238 = vector.broadcast %shift_right_logical3A_237 : i32 to vector<128x2048xi32>
    %shift_right_logical3A_239 = arith.shrui %xor3A_236, %shift_right_logical3A_238 : vector<128x2048xi32>
    %or3A_240 = arith.constant 1065353216 : i32
    %or3A_241 = vector.broadcast %or3A_240 : i32 to vector<128x2048xi32>
    %or3A_242 = arith.ori %shift_right_logical3A_239, %or3A_241 : vector<128x2048xi32>
    %bitcast_convert_type3A = tpu.bitcast %or3A_242 : vector<128x2048xi32> -> vector<128x2048xf32>
    %sub3A = arith.constant 1.000000e+00 : f32
    %sub3A_243 = vector.broadcast %sub3A : f32 to vector<128x2048xf32>
    %sub3A_244 = arith.subf %bitcast_convert_type3A, %sub3A_243 : vector<128x2048xf32>
    %sub3A_245 = arith.constant 1.000000e+00 : f32
    %sub3A_246 = arith.constant 1.17549435E-38 : f32
    %sub3A_247 = arith.subf %sub3A_245, %sub3A_246 : f32
    %mul3A_248 = vector.broadcast %sub3A_247 : f32 to vector<128x2048xf32>
    %mul3A_249 = arith.mulf %sub3A_244, %mul3A_248 : vector<128x2048xf32>
    %add3A_250 = arith.constant 1.17549435E-38 : f32
    %add3A_251 = vector.broadcast %add3A_250 : f32 to vector<128x2048xf32>
    %add3A_252 = arith.addf %mul3A_249, %add3A_251 : vector<128x2048xf32>
    %max3A = arith.constant 1.17549435E-38 : f32
    %max3A_253 = vector.broadcast %max3A : f32 to vector<128x2048xf32>
    %max3A_254 = arith.maximumf %max3A_253, %add3A_252 : vector<128x2048xf32>
    %log3A = math.log %max3A_254 : vector<128x2048xf32>
    %neg3A = arith.constant 0.000000e+00 : f32
    %neg3A_255 = vector.broadcast %neg3A : f32 to vector<128x2048xf32>
    %neg3A_256 = arith.subf %neg3A_255, %log3A : vector<128x2048xf32>
    %log3A_257 = math.log %neg3A_256 : vector<128x2048xf32>
    %neg3A_258 = arith.constant 0.000000e+00 : f32
    %neg3A_259 = vector.broadcast %neg3A_258 : f32 to vector<128x2048xf32>
    %neg3A_260 = arith.subf %neg3A_259, %log3A_257 : vector<128x2048xf32>
    %add3A_261 = arith.addf %transpose3A, %neg3A_260 : vector<128x2048xf32>
    %get3A_262 = arith.constant 0 : index
    %get3A_263 = memref.load %arg1[%get3A_262] : memref<1xf32, #tpu.memory_space<smem>>
    %mul3A_264 = vector.broadcast %get3A_263 : f32 to vector<128x2048xf32>
    %mul3A_265 = arith.mulf %add3A_261, %mul3A_264 : vector<128x2048xf32>
    %exp3A = math.exp %mul3A_265 : vector<128x2048xf32>
    %reduce_sum3A = arith.constant dense<0.000000e+00> : vector<2048xf32>
    %reduce_sum3A_266 = vector.multi_reduction <add>, %exp3A, %reduce_sum3A [0] : vector<128x2048xf32> to vector<2048xf32>
    %broadcast_in_dim3A_267 = vector.shape_cast %reduce_sum3A_266 : vector<2048xf32> to vector<1x2048xf32>
    %mul3A_268 = vector.broadcast %get3A_6 : vector<128x1xf32> to vector<128x2048xf32>
    %mul3A_269 = arith.mulf %exp3A, %mul3A_268 : vector<128x2048xf32>
    %reduce_sum3A_270 = arith.constant dense<0.000000e+00> : vector<2048xf32>
    %reduce_sum3A_271 = vector.multi_reduction <add>, %mul3A_269, %reduce_sum3A_270 [0] : vector<128x2048xf32> to vector<2048xf32>
    %broadcast_in_dim3A_272 = vector.shape_cast %reduce_sum3A_271 : vector<2048xf32> to vector<1x2048xf32>
    %div3A = arith.divf %broadcast_in_dim3A_272, %broadcast_in_dim3A_267 : vector<1x2048xf32>
    %reshape3A_273 = vector.shape_cast %div3A : vector<1x2048xf32> to vector<1x1x2048xf32>
    %swap3A = arith.constant 0 : index
    %swap3A_274 = arith.constant 0 : index
    %swap3A_275 = arith.constant 0 : index
    %swap3A_276 = vector.load %arg6[%swap3A, %swap3A_274, %swap3A_275] : memref<1x1x2048xf32, #tpu.memory_space<vmem>>, vector<1x1x2048xf32>
    tpu.vector_store %arg6[%swap3A, %swap3A_274, %swap3A_275], %reshape3A_273 {strides = array<i32>} : memref<1x1x2048xf32, #tpu.memory_space<vmem>>, vector<1x1x2048xf32>,
    return
  }
  func.func @transform_0(%arg0: i32) -> i32 {
    %c0_i32 = arith.constant 0 : i32
    %c0_i32_0 = arith.constant 0 : i32
    return %c0_i32 : i32
  }
  func.func @transform_1(%arg0: i32) -> i32 {
    %add3A = arith.constant 4 : i32
    %add3A_0 = arith.addi %arg0, %add3A : i32
    %c0_i32 = arith.constant 0 : i32
    return %add3A_0 : i32
  }
  func.func @transform_2(%arg0: i32) -> (i32, i32) {
    %c0_i32 = arith.constant 0 : i32
    %c0_i32_0 = arith.constant 0 : i32
    return %arg0, %c0_i32 : i32, i32
  }
  func.func @transform_3(%arg0: i32) -> (i32, i32) {
    %c0_i32 = arith.constant 0 : i32
    %c0_i32_0 = arith.constant 0 : i32
    %c0_i32_1 = arith.constant 0 : i32
    return %c0_i32, %c0_i32_0 : i32, i32
  }
  func.func @transform_5(%arg0: i32) -> (i32, i32, i32) {
    %add3A = arith.constant 4 : i32
    %add3A_0 = arith.addi %arg0, %add3A : i32
    %c0_i32 = arith.constant 0 : i32
    %c0_i32_1 = arith.constant 0 : i32
    %c0_i32_2 = arith.constant 0 : i32
    return %c0_i32, %c0_i32_1, %add3A_0 : i32, i32, i32
  }
}

module attributes {stable_mosaic.version = 14 : i64} {
  func.func @_tc_body(%arg0: i32, %arg1: memref<1xf32, #tpu.memory_space<smem>>, %arg2: memref<2048xi32, #tpu.memory_space<vmem>>, %arg3: memref<2048x128xf32, #tpu.memory_space<vmem>>, %arg4: memref<128x1xf32, #tpu.memory_space<vmem>>, %arg5: memref<1x1x2048xf32, #tpu.memory_space<vmem>>) attributes {dimension_semantics = [#tpu.dimension_semantics<parallel>], iteration_bounds = array<i64: 4>, scalar_prefetch = 0 : i64, scratch_operands = 0 : i64, tpu.core_type = #tpu.core_type<tc>, window_params = [{transform_indices = @transform_0, window_bounds = array<i64: 1>}, {transform_indices = @transform_1, window_bounds = array<i64: 2048>}, {transform_indices = @transform_2, window_bounds = array<i64: 2048, 128>}, {pipeline_mode = #tpu.pipeline_mode<synchronous>, transform_indices = @transform_3, window_bounds = array<i64: 128, 1>}, {transform_indices = @transform_4, window_bounds = array<i64: 1, 1, 2048>}]} {
    %get3A = arith.constant 0 : index
    %get3A_0 = vector.load %arg2[%get3A] : memref<2048xi32, #tpu.memory_space<vmem>>, vector<2048xi32>
    %reshape3A = vector.shape_cast %get3A_0 : vector<2048xi32> to vector<1x2048xi32>
    %get3A_1 = arith.constant 0 : index
    %get3A_2 = arith.constant 0 : index
    %get3A_3 = vector.load %arg3[%get3A_1, %get3A_2] : memref<2048x128xf32, #tpu.memory_space<vmem>>, vector<2048x128xf32>
    %transpose3A = tpu.transpose %get3A_3, [1, 0] : vector<2048x128xf32> -> vector<128x2048xf32>
    %get3A_4 = arith.constant 0 : index
    %get3A_5 = arith.constant 0 : index
    %get3A_6 = vector.load %arg4[%get3A_4, %get3A_5] : memref<128x1xf32, #tpu.memory_space<vmem>>, vector<128x1xf32>
    %iota3A = tpu.iota {dimensions = array<i32: 0>} : vector<128x2048xi32>
    %mul3A = arith.constant 128 : i32
    %mul3A_7 = vector.broadcast %mul3A : i32 to vector<1x2048xi32>
    %mul3A_8 = arith.muli %reshape3A, %mul3A_7 : vector<1x2048xi32>
    %broadcast_in_dim3A = vector.shape_cast %mul3A_8 : vector<1x2048xi32> to vector<1x2048xi32>
    %broadcast_in_dim3A_9 = vector.broadcast %broadcast_in_dim3A : vector<1x2048xi32> to vector<128x2048xi32>
    %add3A = arith.addi %broadcast_in_dim3A_9, %iota3A : vector<128x2048xi32>
    %broadcast_in_dim3A_10 = arith.constant 0 : i32
    %broadcast_in_dim3A_11 = vector.broadcast %broadcast_in_dim3A_10 : i32 to vector<128x2048xi32>
    %add3A_12 = arith.constant 1 : i32
    %add3A_13 = vector.broadcast %add3A_12 : i32 to vector<128x2048xi32>
    %add3A_14 = arith.addi %add3A, %add3A_13 : vector<128x2048xi32>
    %add3A_15 = arith.addi %broadcast_in_dim3A_11, %add3A_14 : vector<128x2048xi32>
    %shift_left3A = arith.constant 13 : i32
    %shift_left3A_16 = vector.broadcast %shift_left3A : i32 to vector<128x2048xi32>
    %shift_left3A_17 = arith.shli %add3A_14, %shift_left3A_16 : vector<128x2048xi32>
    %shift_right_logical3A = arith.constant 19 : i32
    %shift_right_logical3A_18 = vector.broadcast %shift_right_logical3A : i32 to vector<128x2048xi32>
    %shift_right_logical3A_19 = arith.shrui %add3A_14, %shift_right_logical3A_18 : vector<128x2048xi32>
    %or3A = arith.ori %shift_left3A_17, %shift_right_logical3A_19 : vector<128x2048xi32>
    %xor3A = arith.xori %or3A, %add3A_15 : vector<128x2048xi32>
    %add3A_20 = arith.addi %add3A_15, %xor3A : vector<128x2048xi32>
    %shift_left3A_21 = arith.constant 15 : i32
    %shift_left3A_22 = vector.broadcast %shift_left3A_21 : i32 to vector<128x2048xi32>
    %shift_left3A_23 = arith.shli %xor3A, %shift_left3A_22 : vector<128x2048xi32>
    %shift_right_logical3A_24 = arith.constant 17 : i32
    %shift_right_logical3A_25 = vector.broadcast %shift_right_logical3A_24 : i32 to vector<128x2048xi32>
    %shift_right_logical3A_26 = arith.shrui %xor3A, %shift_right_logical3A_25 : vector<128x2048xi32>
    %or3A_27 = arith.ori %shift_left3A_23, %shift_right_logical3A_26 : vector<128x2048xi32>
    %xor3A_28 = arith.xori %or3A_27, %add3A_20 : vector<128x2048xi32>
    %add3A_29 = arith.addi %add3A_20, %xor3A_28 : vector<128x2048xi32>
    %shift_left3A_30 = arith.constant 26 : i32
    %shift_left3A_31 = vector.broadcast %shift_left3A_30 : i32 to vector<128x2048xi32>
    %shift_left3A_32 = arith.shli %xor3A_28, %shift_left3A_31 : vector<128x2048xi32>
    %shift_right_logical3A_33 = arith.constant 6 : i32
    %shift_right_logical3A_34 = vector.broadcast %shift_right_logical3A_33 : i32 to vector<128x2048xi32>
    %shift_right_logical3A_35 = arith.shrui %xor3A_28, %shift_right_logical3A_34 : vector<128x2048xi32>
    %or3A_36 = arith.ori %shift_left3A_32, %shift_right_logical3A_35 : vector<128x2048xi32>
    %xor3A_37 = arith.xori %or3A_36, %add3A_29 : vector<128x2048xi32>
    %add3A_38 = arith.addi %add3A_29, %xor3A_37 : vector<128x2048xi32>
    %shift_left3A_39 = arith.constant 6 : i32
    %shift_left3A_40 = vector.broadcast %shift_left3A_39 : i32 to vector<128x2048xi32>
    %shift_left3A_41 = arith.shli %xor3A_37, %shift_left3A_40 : vector<128x2048xi32>
    %shift_right_logical3A_42 = arith.constant 26 : i32
    %shift_right_logical3A_43 = vector.broadcast %shift_right_logical3A_42 : i32 to vector<128x2048xi32>
    %shift_right_logical3A_44 = arith.shrui %xor3A_37, %shift_right_logical3A_43 : vector<128x2048xi32>
    %or3A_45 = arith.ori %shift_left3A_41, %shift_right_logical3A_44 : vector<128x2048xi32>
    %xor3A_46 = arith.xori %or3A_45, %add3A_38 : vector<128x2048xi32>
    %add3A_47 = arith.constant 1 : i32
    %add3A_48 = vector.broadcast %add3A_47 : i32 to vector<128x2048xi32>
    %add3A_49 = arith.addi %add3A_38, %add3A_48 : vector<128x2048xi32>
    %add3A_50 = arith.constant 466688987 : i32
    %add3A_51 = vector.broadcast %add3A_50 : i32 to vector<128x2048xi32>
    %add3A_52 = arith.addi %xor3A_46, %add3A_51 : vector<128x2048xi32>
    %add3A_53 = arith.constant 1 : i32
    %add3A_54 = vector.broadcast %add3A_53 : i32 to vector<128x2048xi32>
    %add3A_55 = arith.addi %add3A_52, %add3A_54 : vector<128x2048xi32>
    %add3A_56 = arith.addi %add3A_49, %add3A_55 : vector<128x2048xi32>
    %shift_left3A_57 = arith.constant 17 : i32
    %shift_left3A_58 = vector.broadcast %shift_left3A_57 : i32 to vector<128x2048xi32>
    %shift_left3A_59 = arith.shli %add3A_55, %shift_left3A_58 : vector<128x2048xi32>
    %shift_right_logical3A_60 = arith.constant 15 : i32
    %shift_right_logical3A_61 = vector.broadcast %shift_right_logical3A_60 : i32 to vector<128x2048xi32>
    %shift_right_logical3A_62 = arith.shrui %add3A_55, %shift_right_logical3A_61 : vector<128x2048xi32>
    %or3A_63 = arith.ori %shift_left3A_59, %shift_right_logical3A_62 : vector<128x2048xi32>
    %xor3A_64 = arith.xori %or3A_63, %add3A_56 : vector<128x2048xi32>
    %add3A_65 = arith.addi %add3A_56, %xor3A_64 : vector<128x2048xi32>
    %shift_left3A_66 = arith.constant 29 : i32
    %shift_left3A_67 = vector.broadcast %shift_left3A_66 : i32 to vector<128x2048xi32>
    %shift_left3A_68 = arith.shli %xor3A_64, %shift_left3A_67 : vector<128x2048xi32>
    %shift_right_logical3A_69 = arith.constant 3 : i32
    %shift_right_logical3A_70 = vector.broadcast %shift_right_logical3A_69 : i32 to vector<128x2048xi32>
    %shift_right_logical3A_71 = arith.shrui %xor3A_64, %shift_right_logical3A_70 : vector<128x2048xi32>
    %or3A_72 = arith.ori %shift_left3A_68, %shift_right_logical3A_71 : vector<128x2048xi32>
    %xor3A_73 = arith.xori %or3A_72, %add3A_65 : vector<128x2048xi32>
    %add3A_74 = arith.addi %add3A_65, %xor3A_73 : vector<128x2048xi32>
    %shift_left3A_75 = arith.constant 16 : i32
    %shift_left3A_76 = vector.broadcast %shift_left3A_75 : i32 to vector<128x2048xi32>
    %shift_left3A_77 = arith.shli %xor3A_73, %shift_left3A_76 : vector<128x2048xi32>
    %shift_right_logical3A_78 = arith.constant 16 : i32
    %shift_right_logical3A_79 = vector.broadcast %shift_right_logical3A_78 : i32 to vector<128x2048xi32>
    %shift_right_logical3A_80 = arith.shrui %xor3A_73, %shift_right_logical3A_79 : vector<128x2048xi32>
    %or3A_81 = arith.ori %shift_left3A_77, %shift_right_logical3A_80 : vector<128x2048xi32>
    %xor3A_82 = arith.xori %or3A_81, %add3A_74 : vector<128x2048xi32>
    %add3A_83 = arith.addi %add3A_74, %xor3A_82 : vector<128x2048xi32>
    %shift_left3A_84 = arith.constant 24 : i32
    %shift_left3A_85 = vector.broadcast %shift_left3A_84 : i32 to vector<128x2048xi32>
    %shift_left3A_86 = arith.shli %xor3A_82, %shift_left3A_85 : vector<128x2048xi32>
    %shift_right_logical3A_87 = arith.constant 8 : i32
    %shift_right_logical3A_88 = vector.broadcast %shift_right_logical3A_87 : i32 to vector<128x2048xi32>
    %shift_right_logical3A_89 = arith.shrui %xor3A_82, %shift_right_logical3A_88 : vector<128x2048xi32>
    %or3A_90 = arith.ori %shift_left3A_86, %shift_right_logical3A_89 : vector<128x2048xi32>
    %xor3A_91 = arith.xori %or3A_90, %add3A_83 : vector<128x2048xi32>
    %add3A_92 = arith.constant 466688987 : i32
    %add3A_93 = vector.broadcast %add3A_92 : i32 to vector<128x2048xi32>
    %add3A_94 = arith.addi %add3A_83, %add3A_93 : vector<128x2048xi32>
    %add3A_95 = arith.constant 0 : i32
    %add3A_96 = vector.broadcast %add3A_95 : i32 to vector<128x2048xi32>
    %add3A_97 = arith.addi %xor3A_91, %add3A_96 : vector<128x2048xi32>
    %add3A_98 = arith.constant 2 : i32
    %add3A_99 = vector.broadcast %add3A_98 : i32 to vector<128x2048xi32>
    %add3A_100 = arith.addi %add3A_97, %add3A_99 : vector<128x2048xi32>
    %add3A_101 = arith.addi %add3A_94, %add3A_100 : vector<128x2048xi32>
    %shift_left3A_102 = arith.constant 13 : i32
    %shift_left3A_103 = vector.broadcast %shift_left3A_102 : i32 to vector<128x2048xi32>
    %shift_left3A_104 = arith.shli %add3A_100, %shift_left3A_103 : vector<128x2048xi32>
    %shift_right_logical3A_105 = arith.constant 19 : i32
    %shift_right_logical3A_106 = vector.broadcast %shift_right_logical3A_105 : i32 to vector<128x2048xi32>
    %shift_right_logical3A_107 = arith.shrui %add3A_100, %shift_right_logical3A_106 : vector<128x2048xi32>
    %or3A_108 = arith.ori %shift_left3A_104, %shift_right_logical3A_107 : vector<128x2048xi32>
    %xor3A_109 = arith.xori %or3A_108, %add3A_101 : vector<128x2048xi32>
    %add3A_110 = arith.addi %add3A_101, %xor3A_109 : vector<128x2048xi32>
    %shift_left3A_111 = arith.constant 15 : i32
    %shift_left3A_112 = vector.broadcast %shift_left3A_111 : i32 to vector<128x2048xi32>
    %shift_left3A_113 = arith.shli %xor3A_109, %shift_left3A_112 : vector<128x2048xi32>
    %shift_right_logical3A_114 = arith.constant 17 : i32
    %shift_right_logical3A_115 = vector.broadcast %shift_right_logical3A_114 : i32 to vector<128x2048xi32>
    %shift_right_logical3A_116 = arith.shrui %xor3A_109, %shift_right_logical3A_115 : vector<128x2048xi32>
    %or3A_117 = arith.ori %shift_left3A_113, %shift_right_logical3A_116 : vector<128x2048xi32>
    %xor3A_118 = arith.xori %or3A_117, %add3A_110 : vector<128x2048xi32>
    %add3A_119 = arith.addi %add3A_110, %xor3A_118 : vector<128x2048xi32>
    %shift_left3A_120 = arith.constant 26 : i32
    %shift_left3A_121 = vector.broadcast %shift_left3A_120 : i32 to vector<128x2048xi32>
    %shift_left3A_122 = arith.shli %xor3A_118, %shift_left3A_121 : vector<128x2048xi32>
    %shift_right_logical3A_123 = arith.constant 6 : i32
    %shift_right_logical3A_124 = vector.broadcast %shift_right_logical3A_123 : i32 to vector<128x2048xi32>
    %shift_right_logical3A_125 = arith.shrui %xor3A_118, %shift_right_logical3A_124 : vector<128x2048xi32>
    %or3A_126 = arith.ori %shift_left3A_122, %shift_right_logical3A_125 : vector<128x2048xi32>
    %xor3A_127 = arith.xori %or3A_126, %add3A_119 : vector<128x2048xi32>
    %add3A_128 = arith.addi %add3A_119, %xor3A_127 : vector<128x2048xi32>
    %shift_left3A_129 = arith.constant 6 : i32
    %shift_left3A_130 = vector.broadcast %shift_left3A_129 : i32 to vector<128x2048xi32>
    %shift_left3A_131 = arith.shli %xor3A_127, %shift_left3A_130 : vector<128x2048xi32>
    %shift_right_logical3A_132 = arith.constant 26 : i32
    %shift_right_logical3A_133 = vector.broadcast %shift_right_logical3A_132 : i32 to vector<128x2048xi32>
    %shift_right_logical3A_134 = arith.shrui %xor3A_127, %shift_right_logical3A_133 : vector<128x2048xi32>
    %or3A_135 = arith.ori %shift_left3A_131, %shift_right_logical3A_134 : vector<128x2048xi32>
    %xor3A_136 = arith.xori %or3A_135, %add3A_128 : vector<128x2048xi32>
    %add3A_137 = arith.constant 0 : i32
    %add3A_138 = vector.broadcast %add3A_137 : i32 to vector<128x2048xi32>
    %add3A_139 = arith.addi %add3A_128, %add3A_138 : vector<128x2048xi32>
    %add3A_140 = arith.constant 1 : i32
    %add3A_141 = vector.broadcast %add3A_140 : i32 to vector<128x2048xi32>
    %add3A_142 = arith.addi %xor3A_136, %add3A_141 : vector<128x2048xi32>
    %add3A_143 = arith.constant 3 : i32
    %add3A_144 = vector.broadcast %add3A_143 : i32 to vector<128x2048xi32>
    %add3A_145 = arith.addi %add3A_142, %add3A_144 : vector<128x2048xi32>
    %add3A_146 = arith.addi %add3A_139, %add3A_145 : vector<128x2048xi32>
    %shift_left3A_147 = arith.constant 17 : i32
    %shift_left3A_148 = vector.broadcast %shift_left3A_147 : i32 to vector<128x2048xi32>
    %shift_left3A_149 = arith.shli %add3A_145, %shift_left3A_148 : vector<128x2048xi32>
    %shift_right_logical3A_150 = arith.constant 15 : i32
    %shift_right_logical3A_151 = vector.broadcast %shift_right_logical3A_150 : i32 to vector<128x2048xi32>
    %shift_right_logical3A_152 = arith.shrui %add3A_145, %shift_right_logical3A_151 : vector<128x2048xi32>
    %or3A_153 = arith.ori %shift_left3A_149, %shift_right_logical3A_152 : vector<128x2048xi32>
    %xor3A_154 = arith.xori %or3A_153, %add3A_146 : vector<128x2048xi32>
    %add3A_155 = arith.addi %add3A_146, %xor3A_154 : vector<128x2048xi32>
    %shift_left3A_156 = arith.constant 29 : i32
    %shift_left3A_157 = vector.broadcast %shift_left3A_156 : i32 to vector<128x2048xi32>
    %shift_left3A_158 = arith.shli %xor3A_154, %shift_left3A_157 : vector<128x2048xi32>
    %shift_right_logical3A_159 = arith.constant 3 : i32
    %shift_right_logical3A_160 = vector.broadcast %shift_right_logical3A_159 : i32 to vector<128x2048xi32>
    %shift_right_logical3A_161 = arith.shrui %xor3A_154, %shift_right_logical3A_160 : vector<128x2048xi32>
    %or3A_162 = arith.ori %shift_left3A_158, %shift_right_logical3A_161 : vector<128x2048xi32>
    %xor3A_163 = arith.xori %or3A_162, %add3A_155 : vector<128x2048xi32>
    %add3A_164 = arith.addi %add3A_155, %xor3A_163 : vector<128x2048xi32>
    %shift_left3A_165 = arith.constant 16 : i32
    %shift_left3A_166 = vector.broadcast %shift_left3A_165 : i32 to vector<128x2048xi32>
    %shift_left3A_167 = arith.shli %xor3A_163, %shift_left3A_166 : vector<128x2048xi32>
    %shift_right_logical3A_168 = arith.constant 16 : i32
    %shift_right_logical3A_169 = vector.broadcast %shift_right_logical3A_168 : i32 to vector<128x2048xi32>
    %shift_right_logical3A_170 = arith.shrui %xor3A_163, %shift_right_logical3A_169 : vector<128x2048xi32>
    %or3A_171 = arith.ori %shift_left3A_167, %shift_right_logical3A_170 : vector<128x2048xi32>
    %xor3A_172 = arith.xori %or3A_171, %add3A_164 : vector<128x2048xi32>
    %add3A_173 = arith.addi %add3A_164, %xor3A_172 : vector<128x2048xi32>
    %shift_left3A_174 = arith.constant 24 : i32
    %shift_left3A_175 = vector.broadcast %shift_left3A_174 : i32 to vector<128x2048xi32>
    %shift_left3A_176 = arith.shli %xor3A_172, %shift_left3A_175 : vector<128x2048xi32>
    %shift_right_logical3A_177 = arith.constant 8 : i32
    %shift_right_logical3A_178 = vector.broadcast %shift_right_logical3A_177 : i32 to vector<128x2048xi32>
    %shift_right_logical3A_179 = arith.shrui %xor3A_172, %shift_right_logical3A_178 : vector<128x2048xi32>
    %or3A_180 = arith.ori %shift_left3A_176, %shift_right_logical3A_179 : vector<128x2048xi32>
    %xor3A_181 = arith.xori %or3A_180, %add3A_173 : vector<128x2048xi32>
    %add3A_182 = arith.constant 1 : i32
    %add3A_183 = vector.broadcast %add3A_182 : i32 to vector<128x2048xi32>
    %add3A_184 = arith.addi %add3A_173, %add3A_183 : vector<128x2048xi32>
    %add3A_185 = arith.constant 466688987 : i32
    %add3A_186 = vector.broadcast %add3A_185 : i32 to vector<128x2048xi32>
    %add3A_187 = arith.addi %xor3A_181, %add3A_186 : vector<128x2048xi32>
    %add3A_188 = arith.constant 4 : i32
    %add3A_189 = vector.broadcast %add3A_188 : i32 to vector<128x2048xi32>
    %add3A_190 = arith.addi %add3A_187, %add3A_189 : vector<128x2048xi32>
    %add3A_191 = arith.addi %add3A_184, %add3A_190 : vector<128x2048xi32>
    %shift_left3A_192 = arith.constant 13 : i32
    %shift_left3A_193 = vector.broadcast %shift_left3A_192 : i32 to vector<128x2048xi32>
    %shift_left3A_194 = arith.shli %add3A_190, %shift_left3A_193 : vector<128x2048xi32>
    %shift_right_logical3A_195 = arith.constant 19 : i32
    %shift_right_logical3A_196 = vector.broadcast %shift_right_logical3A_195 : i32 to vector<128x2048xi32>
    %shift_right_logical3A_197 = arith.shrui %add3A_190, %shift_right_logical3A_196 : vector<128x2048xi32>
    %or3A_198 = arith.ori %shift_left3A_194, %shift_right_logical3A_197 : vector<128x2048xi32>
    %xor3A_199 = arith.xori %or3A_198, %add3A_191 : vector<128x2048xi32>
    %add3A_200 = arith.addi %add3A_191, %xor3A_199 : vector<128x2048xi32>
    %shift_left3A_201 = arith.constant 15 : i32
    %shift_left3A_202 = vector.broadcast %shift_left3A_201 : i32 to vector<128x2048xi32>
    %shift_left3A_203 = arith.shli %xor3A_199, %shift_left3A_202 : vector<128x2048xi32>
    %shift_right_logical3A_204 = arith.constant 17 : i32
    %shift_right_logical3A_205 = vector.broadcast %shift_right_logical3A_204 : i32 to vector<128x2048xi32>
    %shift_right_logical3A_206 = arith.shrui %xor3A_199, %shift_right_logical3A_205 : vector<128x2048xi32>
    %or3A_207 = arith.ori %shift_left3A_203, %shift_right_logical3A_206 : vector<128x2048xi32>
    %xor3A_208 = arith.xori %or3A_207, %add3A_200 : vector<128x2048xi32>
    %add3A_209 = arith.addi %add3A_200, %xor3A_208 : vector<128x2048xi32>
    %shift_left3A_210 = arith.constant 26 : i32
    %shift_left3A_211 = vector.broadcast %shift_left3A_210 : i32 to vector<128x2048xi32>
    %shift_left3A_212 = arith.shli %xor3A_208, %shift_left3A_211 : vector<128x2048xi32>
    %shift_right_logical3A_213 = arith.constant 6 : i32
    %shift_right_logical3A_214 = vector.broadcast %shift_right_logical3A_213 : i32 to vector<128x2048xi32>
    %shift_right_logical3A_215 = arith.shrui %xor3A_208, %shift_right_logical3A_214 : vector<128x2048xi32>
    %or3A_216 = arith.ori %shift_left3A_212, %shift_right_logical3A_215 : vector<128x2048xi32>
    %xor3A_217 = arith.xori %or3A_216, %add3A_209 : vector<128x2048xi32>
    %add3A_218 = arith.addi %add3A_209, %xor3A_217 : vector<128x2048xi32>
    %shift_left3A_219 = arith.constant 6 : i32
    %shift_left3A_220 = vector.broadcast %shift_left3A_219 : i32 to vector<128x2048xi32>
    %shift_left3A_221 = arith.shli %xor3A_217, %shift_left3A_220 : vector<128x2048xi32>
    %shift_right_logical3A_222 = arith.constant 26 : i32
    %shift_right_logical3A_223 = vector.broadcast %shift_right_logical3A_222 : i32 to vector<128x2048xi32>
    %shift_right_logical3A_224 = arith.shrui %xor3A_217, %shift_right_logical3A_223 : vector<128x2048xi32>
    %or3A_225 = arith.ori %shift_left3A_221, %shift_right_logical3A_224 : vector<128x2048xi32>
    %xor3A_226 = arith.xori %or3A_225, %add3A_218 : vector<128x2048xi32>
    %add3A_227 = arith.constant 466688987 : i32
    %add3A_228 = vector.broadcast %add3A_227 : i32 to vector<128x2048xi32>
    %add3A_229 = arith.addi %add3A_218, %add3A_228 : vector<128x2048xi32>
    %add3A_230 = arith.constant 0 : i32
    %add3A_231 = vector.broadcast %add3A_230 : i32 to vector<128x2048xi32>
    %add3A_232 = arith.addi %xor3A_226, %add3A_231 : vector<128x2048xi32>
    %add3A_233 = arith.constant 5 : i32
    %add3A_234 = vector.broadcast %add3A_233 : i32 to vector<128x2048xi32>
    %add3A_235 = arith.addi %add3A_232, %add3A_234 : vector<128x2048xi32>
    %xor3A_236 = arith.xori %add3A_229, %add3A_235 : vector<128x2048xi32>
    %shift_right_logical3A_237 = arith.constant 9 : i32
    %shift_right_logical3A_238 = vector.broadcast %shift_right_logical3A_237 : i32 to vector<128x2048xi32>
    %shift_right_logical3A_239 = arith.shrui %xor3A_236, %shift_right_logical3A_238 : vector<128x2048xi32>
    %or3A_240 = arith.constant 1065353216 : i32
    %or3A_241 = vector.broadcast %or3A_240 : i32 to vector<128x2048xi32>
    %or3A_242 = arith.ori %shift_right_logical3A_239, %or3A_241 : vector<128x2048xi32>
    %bitcast_convert_type3A = tpu.bitcast %or3A_242 : vector<128x2048xi32> -> vector<128x2048xf32>
    %sub3A = arith.constant 1.000000e+00 : f32
    %sub3A_243 = vector.broadcast %sub3A : f32 to vector<128x2048xf32>
    %sub3A_244 = arith.subf %bitcast_convert_type3A, %sub3A_243 : vector<128x2048xf32>
    %sub3A_245 = arith.constant 1.000000e+00 : f32
    %sub3A_246 = arith.constant 1.17549435E-38 : f32
    %sub3A_247 = arith.subf %sub3A_245, %sub3A_246 : f32
    %mul3A_248 = vector.broadcast %sub3A_247 : f32 to vector<128x2048xf32>
    %mul3A_249 = arith.mulf %sub3A_244, %mul3A_248 : vector<128x2048xf32>
    %add3A_250 = arith.constant 1.17549435E-38 : f32
    %add3A_251 = vector.broadcast %add3A_250 : f32 to vector<128x2048xf32>
    %add3A_252 = arith.addf %mul3A_249, %add3A_251 : vector<128x2048xf32>
    %max3A = arith.constant 1.17549435E-38 : f32
    %max3A_253 = vector.broadcast %max3A : f32 to vector<128x2048xf32>
    %max3A_254 = arith.maximumf %max3A_253, %add3A_252 : vector<128x2048xf32>
    %log3A = math.log %max3A_254 : vector<128x2048xf32>
    %neg3A = arith.constant 0.000000e+00 : f32
    %neg3A_255 = vector.broadcast %neg3A : f32 to vector<128x2048xf32>
    %neg3A_256 = arith.subf %neg3A_255, %log3A : vector<128x2048xf32>
    %log3A_257 = math.log %neg3A_256 : vector<128x2048xf32>
    %neg3A_258 = arith.constant 0.000000e+00 : f32
    %neg3A_259 = vector.broadcast %neg3A_258 : f32 to vector<128x2048xf32>
    %neg3A_260 = arith.subf %neg3A_259, %log3A_257 : vector<128x2048xf32>
    %add3A_261 = arith.addf %transpose3A, %neg3A_260 : vector<128x2048xf32>
    %get3A_262 = arith.constant 0 : index
    %get3A_263 = memref.load %arg1[%get3A_262] : memref<1xf32, #tpu.memory_space<smem>>
    %mul3A_264 = vector.broadcast %get3A_263 : f32 to vector<128x2048xf32>
    %mul3A_265 = arith.mulf %add3A_261, %mul3A_264 : vector<128x2048xf32>
    %exp3A = math.exp %mul3A_265 : vector<128x2048xf32>
    %reduce_sum3A = arith.constant dense<0.000000e+00> : vector<2048xf32>
    %reduce_sum3A_266 = vector.multi_reduction <add>, %exp3A, %reduce_sum3A [0] : vector<128x2048xf32> to vector<2048xf32>
    %broadcast_in_dim3A_267 = vector.shape_cast %reduce_sum3A_266 : vector<2048xf32> to vector<1x2048xf32>
    %mul3A_268 = vector.broadcast %get3A_6 : vector<128x1xf32> to vector<128x2048xf32>
    %mul3A_269 = arith.mulf %exp3A, %mul3A_268 : vector<128x2048xf32>
    %reduce_sum3A_270 = arith.constant dense<0.000000e+00> : vector<2048xf32>
    %reduce_sum3A_271 = vector.multi_reduction <add>, %mul3A_269, %reduce_sum3A_270 [0] : vector<128x2048xf32> to vector<2048xf32>
    %broadcast_in_dim3A_272 = vector.shape_cast %reduce_sum3A_271 : vector<2048xf32> to vector<1x2048xf32>
    %div3A = arith.divf %broadcast_in_dim3A_272, %broadcast_in_dim3A_267 : vector<1x2048xf32>
    %reshape3A_273 = vector.shape_cast %div3A : vector<1x2048xf32> to vector<1x1x2048xf32>
    %swap3A = arith.constant 0 : index
    %swap3A_274 = arith.constant 0 : index
    %swap3A_275 = arith.constant 0 : index
    %swap3A_276 = vector.load %arg5[%swap3A, %swap3A_274, %swap3A_275] : memref<1x1x2048xf32, #tpu.memory_space<vmem>>, vector<1x1x2048xf32>
    tpu.vector_store %arg5[%swap3A, %swap3A_274, %swap3A_275], %reshape3A_273 {strides = array<i32>} : memref<1x1x2048xf32, #tpu.memory_space<vmem>>, vector<1x1x2048xf32>,
    return
  }
  func.func @transform_0(%arg0: i32) -> i32 {
    %c0_i32 = arith.constant 0 : i32
    %c0_i32_0 = arith.constant 0 : i32
    return %c0_i32 : i32
  }
  func.func @transform_1(%arg0: i32) -> i32 {
    %add3A = arith.constant 0 : i32
    %add3A_0 = arith.addi %arg0, %add3A : i32
    %c0_i32 = arith.constant 0 : i32
    return %add3A_0 : i32
  }
  func.func @transform_2(%arg0: i32) -> (i32, i32) {
    %c0_i32 = arith.constant 0 : i32
    %c0_i32_0 = arith.constant 0 : i32
    return %arg0, %c0_i32 : i32, i32
  }
  func.func @transform_3(%arg0: i32) -> (i32, i32) {
    %c0_i32 = arith.constant 0 : i32
    %c0_i32_0 = arith.constant 0 : i32
    %c0_i32_1 = arith.constant 0 : i32
    return %c0_i32, %c0_i32_0 : i32, i32
  }
  func.func @transform_4(%arg0: i32) -> (i32, i32, i32) {
    %add3A = arith.constant 0 : i32
    %add3A_0 = arith.addi %arg0, %add3A : i32
    %c0_i32 = arith.constant 0 : i32
    %c0_i32_1 = arith.constant 0 : i32
    %c0_i32_2 = arith.constant 0 : i32
    return %c0_i32, %c0_i32_1, %add3A_0 : i32, i32, i32
  }
}

</mosaic_0001>

<sc_bundles>
// kernel: kernel.6.cloned.1.call-start
scs
__scs_entry_jumppad:
0x0: {  	(pc) =	sbr.rel $0x88, $3  }
0x1: {  	(tag) =	ssettag $0x0;
	lr =	simm.s32 $0x1  }
0x2: {  	[smem:$0x3F9D] =	sst lr;
	_ =	strace $0xD0000000  }
0x3: {  	_ = 	snop  }
0x4: {  	_ = 	snop  }
0x5: {  	_ = 	snop  }
0x6: {  	_ = 	snop  }
0x7: {  	_ = 	snop  }
__scs_overlays_trampoline_lowered:
0x8: {  	[smem:$0x3FAC] =	sst s0  }
0x9: {  	[smem:$0x3FAD] =	sst s1  }
0xa: {  	[smem:$0x3FAE] =	sst s2  }
0xb: {  	[smem:$0x3FAF] =	sst s3  }
0xc: {  	[smem:$0x3FB0] =	sst s4  }
0xd: {  	[smem:$0x3FB1] =	sst s5  }
0xe: {  	[smem:$0x3FB2] =	sst s6  }
0xf: {  	[smem:$0x3FB3] =	sst s7  }
0x10: {  	[smem:$0x3FB4] =	sst s8  }
0x11: {  	[smem:$0x3FB5] =	sst s9;
	s0 =	simm.s32 @!p0 $0x0  }
0x12: {  	s1 =	sld [smem:$0x3F9B];
	s0 =	simm.s32 @p0 $0x1  }
0x13: {  	[smem:$0x3FB6] =	sst s0;
	s0 =	simm.s32 @!p1 $0x0  }
0x14: {  	s2 =	sld [smem:$0x3F9A];
	s0 =	simm.s32 @p1 $0x1  }
0x15: {  	[smem:$0x3FB7] =	sst s0;
	s0 =	simm.s32 @!p2 $0x0  }
0x16: {  	s3 =	sld [smem:$0x3FDB];
	s0 =	simm.s32 @p2 $0x1  }
0x17: {  	s4 =	simm.s32 $0x1BF5;
	[smem:$0x3FB9] =	sst s0  }
0x18: {  	s0 =	sld [smem:$0x3F9C];
	_ =	swait.ge [sflag:s4], $0x0  }
0x19: {  	s7 =	sld [smem:$0x3F9D]  }
0x1a: {  	s8 =	sadd.s32 $0xFFFFE003, lr  }
0x1b: {  	s9 =	sadd.s32 $0xFFFFFEF7, lr;
	s5 =	simm.s32 $0xFFFFFFFF;
	p2 =	slt.u32 s8, $0xFFFFF086  }
0x1c: {  	p1 =	slt.u32 s9, $0xF7A;
	s5 =	simm.s32 @!p2 $0x0  }
0x1d: {  	s5 =	simm.s32 @p1 $0x1;
	p0 =	seq.s32 s7, s2  }
0x1e: {  	s7 =	smul.u32 @!p0 $0xF7A, s2;
	p2 =	seq.s32 @!p0 s5, $0x0  }
0x1f: {  	s9 =	smul.u32 $0xF7A, s1;
	s8 =	simm.s32 @!p0 $0x1BF5;
	p2 =	por !p2, p0  }
0x20: {  	[sflag:s8] =	ssyncset.s32 @!p0 $0xFFFFF086;
	s6 =	sadd.s32 @!p0 s3, s7;
	s7 =	simm.s32 @!p0 $0x108  }
0x21: {  	s3 =	sadd.s32 s3, s9;
	s6 =	sadd.s32 @!p0 $0x88, s6;
	s7 =	simm.s32 @p2 $0x1082  }
0x22: {  	[simem:s7], [sflag:s8] =	dma.local @!p0 [hbm:s6], $0xF7A  }
0x23: {  	s9 =	sor.u32 $0xD0000000, s2;
	s6 =	simm.s32 $0x108;
	_ =	swait.ge @!p0 [sflag:s8], $0x0  }
0x24: {  	s3 =	sadd.s32 $0x88, s3;
	s6 =	simm.s32 @!p1 $0x1082;
	[sflag:s4] =	ssyncset.s32 $0xFFFFF086  }
0x25: {  	[simem:s6], [sflag:s4] =	dma.local [hbm:s3], $0xF7A  }
0x26: {  	[smem:$0x3F9D] =	sst s1;
	(tag) =	ssettag s2;
	_ =	strace s9  }
0x27: {  	s1 =	sld [smem:$0x3FAD]  }
0x28: {  	s2 =	sld [smem:$0x3FAE]  }
0x29: {  	s4 =	sld [smem:$0x3FB0]  }
0x2a: {  	p0 =	seq.s32 s5, $0x0;
	s5 =	sld [smem:$0x3FB1]  }
0x2b: {  	s6 =	sld [smem:$0x3FB2]  }
0x2c: {  	s7 =	sld [smem:$0x3FB3]  }
0x2d: {  	s3 =	simm.s32 $0x108;
	s8 =	sld [smem:$0x3FB4]  }
0x2e: {  	s3 =	simm.s32 @!p0 $0x1082;
	s9 =	sld [smem:$0x3FB5]  }
0x2f: {  	lr =	sadd.s32 s0, s3;
	s0 =	sld [smem:$0x3FAC]  }
0x30: {  	s3 =	sld [smem:$0x3FAF]  }
0x31: {  	[smem:$0x3FB8] =	sst s10  }
0x32: {  	s10 =	sld [smem:$0x3FB6];
	_ =	sdelay $0x3  }
0x33: {  	p0 =	seq.s32 s10, $0x1;
	s10 =	sld [smem:$0x3FB8];
	_ =	sdelay $0x3  }
0x34: {  	[smem:$0x3FB8] =	sst s10  }
0x35: {  	s10 =	sld [smem:$0x3FB7];
	_ =	sdelay $0x3  }
0x36: {  	p1 =	seq.s32 s10, $0x1;
	s10 =	sld [smem:$0x3FB8];
	_ =	sdelay $0x3  }
0x37: {  	[smem:$0x3FB8] =	sst s10  }
0x38: {  	s10 =	sld [smem:$0x3FB9]  }
0x39: {  	_ = 	snop;
	(pc) =	sbr.ind lr, $3  }
0x3a: {  	_ = 	snop  }
0x3b: {  	_ = 	snop  }
0x3c: {  	p2 =	seq.s32 s10, $0x1;
	s10 =	sld [smem:$0x3FB8]  }
0x3d: {  	_ =	shalt  }
0x3e: {  	_ =	shalt  }
0x3f: {  	_ =	shalt  }
0x40: {  	_ =	shalt  }
0x41: {  	_ =	shalt  }
0x42: {  	_ =	shalt  }
0x43: {  	_ =	shalt  }
0x44: {  	_ =	shalt  }
0x45: {  	_ =	shalt  }
0x46: {  	_ =	shalt  }
0x47: {  	_ =	shalt  }
0x48: {  	_ =	shalt  }
0x49: {  	_ =	shalt  }
0x4a: {  	_ =	shalt  }
0x4b: {  	_ =	shalt  }
0x4c: {  	_ =	shalt  }
0x4d: {  	_ =	shalt  }
0x4e: {  	_ =	shalt  }
0x4f: {  	_ =	shalt  }
0x50: {  	_ =	shalt  }
0x51: {  	_ =	shalt  }
0x52: {  	_ =	shalt  }
0x53: {  	_ =	shalt  }
0x54: {  	_ =	shalt  }
0x55: {  	_ =	shalt  }
0x56: {  	_ =	shalt  }
0x57: {  	_ =	shalt  }
0x58: {  	_ =	shalt  }
0x59: {  	_ =	shalt  }
0x5a: {  	_ =	shalt  }
0x5b: {  	_ =	shalt  }
0x5c: {  	_ =	shalt  }
0x5d: {  	_ =	shalt  }
0x5e: {  	_ =	shalt  }
0x5f: {  	_ =	shalt  }
0x60: {  	_ =	shalt  }
0x61: {  	_ =	shalt  }
0x62: {  	_ =	shalt  }
0x63: {  	_ =	shalt  }
0x64: {  	_ =	shalt  }
0x65: {  	_ =	shalt  }
0x66: {  	_ =	shalt  }
0x67: {  	_ =	shalt  }
0x68: {  	_ =	shalt  }
0x69: {  	_ =	shalt  }
0x6a: {  	_ =	shalt  }
0x6b: {  	_ =	shalt  }
0x6c: {  	_ =	shalt  }
0x6d: {  	_ =	shalt  }
0x6e: {  	_ =	shalt  }
0x6f: {  	_ =	shalt  }
0x70: {  	_ =	shalt  }
0x71: {  	_ =	shalt  }
0x72: {  	_ =	shalt  }
0x73: {  	_ =	shalt  }
0x74: {  	_ =	shalt  }
0x75: {  	_ =	shalt  }
0x76: {  	_ =	shalt  }
0x77: {  	_ =	shalt  }
0x78: {  	_ =	shalt  }
0x79: {  	_ =	shalt  }
0x7a: {  	_ =	shalt  }
0x7b: {  	_ =	shalt  }
0x7c: {  	_ =	shalt  }
0x7d: {  	_ =	shalt  }
0x7e: {  	_ =	shalt  }
0x7f: {  	_ =	shalt  }
0x80: {  	_ =	shalt  }
0x81: {  	_ =	shalt  }
0x82: {  	_ =	shalt  }
0x83: {  	_ =	shalt  }
0x84: {  	_ =	shalt  }
0x85: {  	_ =	shalt  }
0x86: {  	_ =	shalt  }
0x87: {  	_ =	shalt  }
.Lfunc_end0:
.L_simem_size_0:
called_computation_lowered:
.L_overlay_start_0:
0x88: {  	s2 =	sld [smem:$0x3FD9]  }
0x89: {  	s3 =	sld [smem:$0x3FFE];
	_ =	sdelay $0x1  }
0x8a: {  	s1 =	srdreg.scid  }
0x8b: {  	s0 =	sand.u32 $0x1, s1  }
0x8c: {  	s17 =	sshll.u32 s0, $0xA;
	s2 =	sadd.s32 s3, s2  }
0x8d: {  	s2 =	sadd.s32 s2, s17  }
0x8e: {  	[smem:$0x3FC4] =	sst s2  }
0x8f: {  	_ = 	snop  }
0x90: {  	s2 =	sld [smem:$0x3FC9]  }
0x91: {  	s18 =	sld [smem:$0x3FC7];
	(tm) =	ssettm $0x1  }
0x92: {  	s4 =	sld [smem:$0x3FFB];
	_ =	sdelay $0x3  }
0x93: {  	_ =	strace s4  }
0x94: {  	s4 =	sld [smem:$0x3FFC];
	_ =	sdelay $0x3  }
0x95: {  	_ =	strace s4  }
0x96: {  	s4 =	sld [smem:$0x3FFD];
	_ =	sdelay $0x3  }
0x97: {  	_ =	strace s4  }
0x98: {  	_ =	strace $0x8FFFFFFF  }
0x99: {  	s19 =	sld [smem:$0x3FDB];
	_ =	sdelay $0x1  }
0x9a: {  	s5 =	simm.s32 $_scs_section_size  }
0x9b: {  	s6 =	simm.s32 $_size__tile_overlayer_lowered;
	s7 =	simm.s32 $_tile_overlayer_lowered  }
0x9c: {  	s22 =	simm.s32 $0x1BFF;
	s21 =	sshll.u32 s7, $0x1;
	s4 =	sadd.s32 s5, s19  }
0x9d: {  	s8 =	simm.s32 $0x0;
	s20 =	sshll.u32 s6, $0x1;
	s6 =	sadd.s32 s21, s4  }
0x9e: {  	[timem:s8], [sflag:s22] =	dma.local [hbm:s6], s20  }
0x9f: {  	_ =	swait.ge [sflag:s22], s20  }
0xa0: {  	s5 =	ssub.s32 $0x0, s20;
	[sflag:s22] =	ssyncset.done $0x0  }
0xa1: {  	[sflag:s22] =	ssyncadd.s32 s5;
	_ =	sdelay $0x1  }
0xa2: {  	s23 =	simm.s32 $0x1B8B  }
0xa3: {  	_ =	swait.ge [sflag:s23], $0x1  }
0xa4: {  	[sflag:s23] =	ssyncset.done $0x0  }
0xa5: {  	s25 =	simm.s32 $0x1B8E;
	s24 =	sld [smem:$0x3FFE];
	[sflag:s23] =	ssyncadd.s32 $0xFFFFFFFF  }
0xa6: {  	s26 =	simm.s32 $execute0_lowered;
	[smem:$0x3FD2] =	sst s25  }
0xa7: {  	s6 =	sshll.u32 s26, $0x1;
	_ =	strace $0x80000046;
	[dreg:$0x1] =	wrdreg $0xFFFFFFFF  }
0xa8: {  	s28 =	simm.s32 $_size_execute0_lowered;
	s4 =	sadd.s32 s4, s6;
	[dreg:$0x0] =	wrdreg $0x0  }
0xa9: {  	s6 =	sshll.u32 s28, $0x1;
	[dreg:$0x2] =	wrdreg s4  }
0xaa: {  	[dreg:$0x3] =	wrdreg s6  }
0xab: {  	[dreg:$0x4] =	wrdreg $0xC0  }
0xac: {  	_ =	task [dreg:s8], $0x5FFFF  }
0xad: {  	[dreg:$0x1] =	wrdreg $0xFFFFFFFF  }
0xae: {  	[dreg:$0x0] =	wrdreg $0x60  }
0xaf: {  	[dreg:$0x2] =	wrdreg s18  }
0xb0: {  	[dreg:$0x3] =	wrdreg s2  }
0xb1: {  	[dreg:$0x4] =	wrdreg s24  }
0xb2: {  	[dreg:$0x5] =	wrdreg $0x9  }
0xb3: {  	_ =	task.clear_ibuf [dreg:s8], $0x6FFFF;
	_ =	strace $0x90000046  }
0xb4: {  	s29 =	simm.s32 $0x9;
	_ =	strace $0x80000048  }
0xb5: {  	_ =	swait.ge [sflag:s29], $0x1  }
0xb6: {  	[sflag:s29] =	ssyncadd.s32 $0xFFFFFFFF  }
0xb7: {  	_ =	strace $0x90000048  }
0xb8: {  	_ =	sfence  }
0xb9: {  	s30 =	sld [smem:$0x0];
	_ =	sdelay $0x2  }
0xba: {  	s31 =	sshll.u32 s1, $0xD;
	s1 =	sshrl.u32 s1, $0x2  }
0xbb: {  	s3 =	sand.u32 $0x4000, s31;
	s1 =	sadd.s32 s1, s30  }
0xbc: {  	s0 =	sor.u32 s3, s0;
	s1 =	sshll.u32 s1, $0x11  }
0xbd: {  	s0 =	sor.u32 s1, s0  }
0xbe: {  	s0 =	sadd.s32 $0x8F2B, s0  }
0xbf: {  	[sflag:s0] =	ssyncadd.remote.s32 $0x1  }
0xc0: {  	_ =	sfence.sel $0xFFFF  }
0xc1: {  	[dreg:$0x0] =	wrdreg $0xFFFFFFFF;
	(pc) =	sbr.abs _section_cstart, $3  }
0xc2: {  	[dreg:$0x1] =	wrdreg $0xFFFFFFFF  }
0xc3: {  	_ =	task.clear_ibuf [dreg:s8], $0x2FFFF;
	_ =	strace $0x9FFFFFFF  }
0xc4: {  	(tm) =	ssettm $0x7FFFFFFF  }
0xc5: {  	_ =	shalt  }
tec
execute0_lowered:
.L_overlay_start_1:
0x0: {  	(tag) =	ssettag $0x1  }
0x1: {  	s1 =	rddreg [dreg:$0x0];
	s2 =	srdreg.scid  }
0x2: {  	s4 =	rddreg [dreg:$0x1];
	s0 =	stileid.u32;
	s11 =	sand.u32 $0x1, s2  }
0x3: {  	s10 =	rddreg [dreg:$0x2];
	s5 =	sshll.u32 s0, $0x9;
	s6 =	sshll.u32 s11, $0x8  }
0x4: {  	s3 =	simm.s32 $0x0;
	s2 =	rddreg [dreg:$0x3];
	s12 =	sor.u32 s6, s5  }
0x5: {  	[smem:$0x7FF] =	sst s3;
	s5 =	sshrl.u32 s12, $0x3  }
0x6: {  	_ =	strace $0x80000047;
	s4 =	sadd.s32 s4, s5;
	s5 =	simm.s32 $0x3  }
0x7: {  	[tilespmem:s3], [sflag:$0x3] =	stream.linear.gather [hbm4b:s4+s3], $0x100, $0x38;
	[tilespmem:$0x8100] =	vst v63  }
0x8: {  	_ =	swait.ge [sflag:s5], $0x100  }
0x9: {  	[sflag:s5] =	ssyncset.done $0x0  }
0xa: {  	s7 =	simm.s32 $0x100;
	s6 =	simm.s32 $0x80;
	[sflag:s5] =	ssyncadd.s32 $0xFFFFFF00  }
0xb: {  	[tilespmem:s7], [sflag:$0x1] =	stream.indirect.gather [hbm4b:s1+s6], $0x80, s3, s6, $0xb8;
	[tilespmem:$0x8100] =	vst v63  }
0xc: {  	s8 =	simm.s32 $0x4100;
	s9 =	simm.s32 $0x1  }
0xd: {  	[tilespmem:s8], [sflag:$0x1] =	stream.indirect.gather [hbm4b:s1+s6], $0x80, s6, s6, $0xb8;
	[tilespmem:$0x8100] =	vst v63  }
0xe: {  	s12 =	sshll.u32 s12, $0x4;
	_ =	swait.ge [sflag:s9], $0x4000  }
0xf: {  	s13 =	ssub.s32 $0x2, s11;
	s12 =	sadd.s32 s12, s10;
	[sflag:s9] =	ssyncset.done $0x0  }
0x10: {  	s14 =	sshrl.u32 s13, $0x1;
	s10 =	sadd.s32 $0x1000, s12;
	[sflag:s9] =	ssyncadd.s32 $0xFFFFC000  }
0x11: {  	[hbm4b:s10+s3] =	stream.linear.scatter [tilespmem:s7], [sflag:$0x2], $0x4000, $0x38;
	[tilespmem:$0x8100] =	vst v63  }
0x12: {  	s13 =	ssub.s32 s13, s14;
	_ =	swait.ge [sflag:s9], $0x4000  }
0x13: {  	s11 =	simm.s32 $0x2;
	s13 =	smax.u32 s13, $0x1;
	[sflag:s9] =	ssyncset.done $0x0  }
0x14: {  	s12 =	sadd.s32 $0x1800, s12;
	p0 =	sne.s32 s13, $0x1;
	[sflag:s9] =	ssyncadd.s32 $0xFFFFC000  }
0x15: {  	[hbm4b:s12+s3] =	stream.linear.scatter [tilespmem:s8], [sflag:$0x2], $0x4000, $0x38;
	[tilespmem:$0x8100] =	vst v63  }
.Ltmp0:
0x16: {  	_ =	swait.ge [sflag:s11], $0x4000;
	(pc) =	sbr.rel @!p0 .LBB2_2-.Ltmp0, $4  }
0x17: {  	[sflag:s11] =	ssyncset.done $0x0  }
0x18: {  	[sflag:s11] =	ssyncadd.s32 $0xFFFFC000  }
0x19: {  	_ =	swait.ge [sflag:s11], $0x4000  }
0x1a: {  	s13 =	sadd.s32 $0xFFFFFFFF, s13;
	[sflag:s11] =	ssyncset.done $0x0  }
.LBB2_1:
0x1b: {  	p0 =	sne.s32 s13, $0x1;
	s13 =	sadd.s32 $0xFFFFFFFF, s13;
	[sflag:s11] =	ssyncadd.s32 $0xFFFFC000  }
0x1c: {  	[tilespmem:s3], [sflag:$0x3] =	stream.linear.gather [hbm4b:s4+s3], $0x100, $0x38;
	[tilespmem:$0x8100] =	vst v63  }
0x1d: {  	_ =	swait.ge [sflag:s5], $0x100  }
0x1e: {  	[sflag:s5] =	ssyncset.done $0x0  }
0x1f: {  	[sflag:s5] =	ssyncadd.s32 $0xFFFFFF00  }
0x20: {  	[tilespmem:s7], [sflag:$0x1] =	stream.indirect.gather [hbm4b:s1+s6], $0x80, s3, s6, $0xb8;
	[tilespmem:$0x8100] =	vst v63  }
0x21: {  	_ = 	snop  }
0x22: {  	[tilespmem:s8], [sflag:$0x1] =	stream.indirect.gather [hbm4b:s1+s6], $0x80, s6, s6, $0xb8;
	[tilespmem:$0x8100] =	vst v63  }
0x23: {  	_ =	swait.ge [sflag:s9], $0x4000  }
0x24: {  	[sflag:s9] =	ssyncset.done $0x0  }
0x25: {  	[sflag:s9] =	ssyncadd.s32 $0xFFFFC000  }
0x26: {  	[hbm4b:s10+s3] =	stream.linear.scatter [tilespmem:s7], [sflag:$0x2], $0x4000, $0x38;
	[tilespmem:$0x8100] =	vst v63  }
0x27: {  	_ =	swait.ge [sflag:s9], $0x4000  }
0x28: {  	[sflag:s9] =	ssyncset.done $0x0  }
0x29: {  	[sflag:s9] =	ssyncadd.s32 $0xFFFFC000  }
0x2a: {  	[hbm4b:s12+s3] =	stream.linear.scatter [tilespmem:s8], [sflag:$0x2], $0x4000, $0x38;
	[tilespmem:$0x8100] =	vst v63  }
.Ltmp1:
0x2b: {  	_ =	swait.ge [sflag:s11], $0x4000;
	(pc) =	sbr.rel @p0 .LBB2_1-.Ltmp1, $4  }
0x2c: {  	[sflag:s11] =	ssyncset.done $0x0  }
0x2d: {  	[sflag:s11] =	ssyncadd.s32 $0xFFFFC000  }
0x2e: {  	_ =	swait.ge [sflag:s11], $0x4000  }
0x2f: {  	[sflag:s11] =	ssyncset.done $0x0  }
.LBB2_2:
0x30: {  	[sflag:s11] =	ssyncadd.s32 $0xFFFFC000  }
0x31: {  	_ =	sfence.sel $0x180000  }
0x32: {  	[bflag:$0x0] =	sbarrier.arrive $0xFFFF  }
0x33: {  	p0 =	sne.s32 s0, $0x0;
	_ =	strace $0x90000047  }
0x34: {  	s0 =	sadd.s32 @!p0 $0x100000, s2;
	[bflag:$0x2] =	sbarrier.arrive $0xFFFF  }
0x35: {  	[sflag:s0] =	ssyncadd.tile.s32 @!p0 $0x1;
	_ =	shalt  }
.Lfunc_end2:
_tile_overlayer_lowered:
.L_overlay_start_2:
0x36: {  	(tag) =	ssettag $0x2  }
0x37: {  	s0 =	rddreg [dreg:$0x0];
	s2 =	stileid.u32  }
0x38: {  	s1 =	rddreg [dreg:$0x1];
	p0 =	sne.s32 s2, $0x0  }
0x39: {  	s3 =	rddreg [dreg:$0x2];
	[bflag:$0x3] =	sbarrier.arrive $0xFFFF;
	s2 =	simm.s32 @!p0 $0x1C03  }
0x3a: {  	[timem:s3], [sflag:s2] =	dma.local @!p0 [hbm:s0], s1  }
0x3b: {  	s0 =	simm.s32 @!p0 $0x3  }
0x3c: {  	_ =	swait.ge @!p0 [sflag:s0], s1  }
0x3d: {  	s1 =	ssub.s32 @!p0 $0x0, s1;
	[sflag:s0] =	ssyncset.done @!p0 $0x0  }
0x3e: {  	[sflag:s0] =	ssyncadd.s32 @!p0 s1  }
0x3f: {  	[bflag:$0x3] =	sbarrier.arrive $0xFFFF  }
0x40: {  	_ =	shalt  }

// kernel: kernel.9.cloned.1.call-start
scs
__scs_entry_jumppad:
0x0: {  	(pc) =	sbr.rel $0x88, $3  }
0x1: {  	(tag) =	ssettag $0x0;
	lr =	simm.s32 $0x1  }
0x2: {  	[smem:$0x3F9D] =	sst lr;
	_ =	strace $0xD0000000  }
0x3: {  	_ = 	snop  }
0x4: {  	_ = 	snop  }
0x5: {  	_ = 	snop  }
0x6: {  	_ = 	snop  }
0x7: {  	_ = 	snop  }
__scs_overlays_trampoline_lowered:
0x8: {  	[smem:$0x3FAC] =	sst s0  }
0x9: {  	[smem:$0x3FAD] =	sst s1  }
0xa: {  	[smem:$0x3FAE] =	sst s2  }
0xb: {  	[smem:$0x3FAF] =	sst s3  }
0xc: {  	[smem:$0x3FB0] =	sst s4  }
0xd: {  	[smem:$0x3FB1] =	sst s5  }
0xe: {  	[smem:$0x3FB2] =	sst s6  }
0xf: {  	[smem:$0x3FB3] =	sst s7  }
0x10: {  	[smem:$0x3FB4] =	sst s8  }
0x11: {  	[smem:$0x3FB5] =	sst s9;
	s0 =	simm.s32 @!p0 $0x0  }
0x12: {  	s1 =	sld [smem:$0x3F9B];
	s0 =	simm.s32 @p0 $0x1  }
0x13: {  	[smem:$0x3FB6] =	sst s0;
	s0 =	simm.s32 @!p1 $0x0  }
0x14: {  	s2 =	sld [smem:$0x3F9A];
	s0 =	simm.s32 @p1 $0x1  }
0x15: {  	[smem:$0x3FB7] =	sst s0;
	s0 =	simm.s32 @!p2 $0x0  }
0x16: {  	s3 =	sld [smem:$0x3FDB];
	s0 =	simm.s32 @p2 $0x1  }
0x17: {  	s4 =	simm.s32 $0x1BF5;
	[smem:$0x3FB9] =	sst s0  }
0x18: {  	s0 =	sld [smem:$0x3F9C];
	_ =	swait.ge [sflag:s4], $0x0  }
0x19: {  	s7 =	sld [smem:$0x3F9D]  }
0x1a: {  	s8 =	sadd.s32 $0xFFFFE003, lr  }
0x1b: {  	s9 =	sadd.s32 $0xFFFFFEF7, lr;
	s5 =	simm.s32 $0xFFFFFFFF;
	p2 =	slt.u32 s8, $0xFFFFF086  }
0x1c: {  	p1 =	slt.u32 s9, $0xF7A;
	s5 =	simm.s32 @!p2 $0x0  }
0x1d: {  	s5 =	simm.s32 @p1 $0x1;
	p0 =	seq.s32 s7, s2  }
0x1e: {  	s7 =	smul.u32 @!p0 $0xF7A, s2;
	p2 =	seq.s32 @!p0 s5, $0x0  }
0x1f: {  	s9 =	smul.u32 $0xF7A, s1;
	s8 =	simm.s32 @!p0 $0x1BF5;
	p2 =	por !p2, p0  }
0x20: {  	[sflag:s8] =	ssyncset.s32 @!p0 $0xFFFFF086;
	s6 =	sadd.s32 @!p0 s3, s7;
	s7 =	simm.s32 @!p0 $0x108  }
0x21: {  	s3 =	sadd.s32 s3, s9;
	s6 =	sadd.s32 @!p0 $0x88, s6;
	s7 =	simm.s32 @p2 $0x1082  }
0x22: {  	[simem:s7], [sflag:s8] =	dma.local @!p0 [hbm:s6], $0xF7A  }
0x23: {  	s9 =	sor.u32 $0xD0000000, s2;
	s6 =	simm.s32 $0x108;
	_ =	swait.ge @!p0 [sflag:s8], $0x0  }
0x24: {  	s3 =	sadd.s32 $0x88, s3;
	s6 =	simm.s32 @!p1 $0x1082;
	[sflag:s4] =	ssyncset.s32 $0xFFFFF086  }
0x25: {  	[simem:s6], [sflag:s4] =	dma.local [hbm:s3], $0xF7A  }
0x26: {  	[smem:$0x3F9D] =	sst s1;
	(tag) =	ssettag s2;
	_ =	strace s9  }
0x27: {  	s1 =	sld [smem:$0x3FAD]  }
0x28: {  	s2 =	sld [smem:$0x3FAE]  }
0x29: {  	s4 =	sld [smem:$0x3FB0]  }
0x2a: {  	p0 =	seq.s32 s5, $0x0;
	s5 =	sld [smem:$0x3FB1]  }
0x2b: {  	s6 =	sld [smem:$0x3FB2]  }
0x2c: {  	s7 =	sld [smem:$0x3FB3]  }
0x2d: {  	s3 =	simm.s32 $0x108;
	s8 =	sld [smem:$0x3FB4]  }
0x2e: {  	s3 =	simm.s32 @!p0 $0x1082;
	s9 =	sld [smem:$0x3FB5]  }
0x2f: {  	lr =	sadd.s32 s0, s3;
	s0 =	sld [smem:$0x3FAC]  }
0x30: {  	s3 =	sld [smem:$0x3FAF]  }
0x31: {  	[smem:$0x3FB8] =	sst s10  }
0x32: {  	s10 =	sld [smem:$0x3FB6];
	_ =	sdelay $0x3  }
0x33: {  	p0 =	seq.s32 s10, $0x1;
	s10 =	sld [smem:$0x3FB8];
	_ =	sdelay $0x3  }
0x34: {  	[smem:$0x3FB8] =	sst s10  }
0x35: {  	s10 =	sld [smem:$0x3FB7];
	_ =	sdelay $0x3  }
0x36: {  	p1 =	seq.s32 s10, $0x1;
	s10 =	sld [smem:$0x3FB8];
	_ =	sdelay $0x3  }
0x37: {  	[smem:$0x3FB8] =	sst s10  }
0x38: {  	s10 =	sld [smem:$0x3FB9]  }
0x39: {  	_ = 	snop;
	(pc) =	sbr.ind lr, $3  }
0x3a: {  	_ = 	snop  }
0x3b: {  	_ = 	snop  }
0x3c: {  	p2 =	seq.s32 s10, $0x1;
	s10 =	sld [smem:$0x3FB8]  }
0x3d: {  	_ =	shalt  }
0x3e: {  	_ =	shalt  }
0x3f: {  	_ =	shalt  }
0x40: {  	_ =	shalt  }
0x41: {  	_ =	shalt  }
0x42: {  	_ =	shalt  }
0x43: {  	_ =	shalt  }
0x44: {  	_ =	shalt  }
0x45: {  	_ =	shalt  }
0x46: {  	_ =	shalt  }
0x47: {  	_ =	shalt  }
0x48: {  	_ =	shalt  }
0x49: {  	_ =	shalt  }
0x4a: {  	_ =	shalt  }
0x4b: {  	_ =	shalt  }
0x4c: {  	_ =	shalt  }
0x4d: {  	_ =	shalt  }
0x4e: {  	_ =	shalt  }
0x4f: {  	_ =	shalt  }
0x50: {  	_ =	shalt  }
0x51: {  	_ =	shalt  }
0x52: {  	_ =	shalt  }
0x53: {  	_ =	shalt  }
0x54: {  	_ =	shalt  }
0x55: {  	_ =	shalt  }
0x56: {  	_ =	shalt  }
0x57: {  	_ =	shalt  }
0x58: {  	_ =	shalt  }
0x59: {  	_ =	shalt  }
0x5a: {  	_ =	shalt  }
0x5b: {  	_ =	shalt  }
0x5c: {  	_ =	shalt  }
0x5d: {  	_ =	shalt  }
0x5e: {  	_ =	shalt  }
0x5f: {  	_ =	shalt  }
0x60: {  	_ =	shalt  }
0x61: {  	_ =	shalt  }
0x62: {  	_ =	shalt  }
0x63: {  	_ =	shalt  }
0x64: {  	_ =	shalt  }
0x65: {  	_ =	shalt  }
0x66: {  	_ =	shalt  }
0x67: {  	_ =	shalt  }
0x68: {  	_ =	shalt  }
0x69: {  	_ =	shalt  }
0x6a: {  	_ =	shalt  }
0x6b: {  	_ =	shalt  }
0x6c: {  	_ =	shalt  }
0x6d: {  	_ =	shalt  }
0x6e: {  	_ =	shalt  }
0x6f: {  	_ =	shalt  }
0x70: {  	_ =	shalt  }
0x71: {  	_ =	shalt  }
0x72: {  	_ =	shalt  }
0x73: {  	_ =	shalt  }
0x74: {  	_ =	shalt  }
0x75: {  	_ =	shalt  }
0x76: {  	_ =	shalt  }
0x77: {  	_ =	shalt  }
0x78: {  	_ =	shalt  }
0x79: {  	_ =	shalt  }
0x7a: {  	_ =	shalt  }
0x7b: {  	_ =	shalt  }
0x7c: {  	_ =	shalt  }
0x7d: {  	_ =	shalt  }
0x7e: {  	_ =	shalt  }
0x7f: {  	_ =	shalt  }
0x80: {  	_ =	shalt  }
0x81: {  	_ =	shalt  }
0x82: {  	_ =	shalt  }
0x83: {  	_ =	shalt  }
0x84: {  	_ =	shalt  }
0x85: {  	_ =	shalt  }
0x86: {  	_ =	shalt  }
0x87: {  	_ =	shalt  }
.Lfunc_end0:
.L_simem_size_0:
called_computation.1_lowered:
.L_overlay_start_0:
0x88: {  	s2 =	sld [smem:$0x3FD9]  }
0x89: {  	s3 =	sld [smem:$0x3FFE];
	_ =	sdelay $0x1  }
0x8a: {  	s1 =	srdreg.scid  }
0x8b: {  	s0 =	sand.u32 $0x1, s1  }
0x8c: {  	s17 =	sshll.u32 s0, $0xA;
	s2 =	sadd.s32 s3, s2  }
0x8d: {  	s2 =	sadd.s32 s2, s17  }
0x8e: {  	[smem:$0x3FC4] =	sst s2  }
0x8f: {  	_ = 	snop  }
0x90: {  	s18 =	sld [smem:$0x3FC9]  }
0x91: {  	s4 =	sld [smem:$0x3FC7];
	(tm) =	ssettm $0x1  }
0x92: {  	s19 =	sld [smem:$0x3FFB];
	_ =	sdelay $0x3  }
0x93: {  	_ =	strace s19  }
0x94: {  	s2 =	sld [smem:$0x3FFC];
	_ =	sdelay $0x3  }
0x95: {  	_ =	strace s2  }
0x96: {  	s2 =	sld [smem:$0x3FFD];
	_ =	sdelay $0x3  }
0x97: {  	_ =	strace s2  }
0x98: {  	_ =	strace $0x8FFFFFFF  }
0x99: {  	s20 =	sld [smem:$0x3FDB];
	_ =	sdelay $0x1  }
0x9a: {  	s5 =	simm.s32 $_scs_section_size  }
0x9b: {  	s6 =	simm.s32 $_size__tile_overlayer_lowered;
	s7 =	simm.s32 $_tile_overlayer_lowered  }
0x9c: {  	s8 =	simm.s32 $0x1BFF;
	s21 =	sshll.u32 s7, $0x1;
	s5 =	sadd.s32 s5, s20  }
0x9d: {  	s22 =	simm.s32 $0x0;
	s6 =	sshll.u32 s6, $0x1;
	s7 =	sadd.s32 s21, s5  }
0x9e: {  	[timem:s22], [sflag:s8] =	dma.local [hbm:s7], s6  }
0x9f: {  	_ =	swait.ge [sflag:s8], s6  }
0xa0: {  	s6 =	ssub.s32 $0x0, s6;
	[sflag:s8] =	ssyncset.done $0x0  }
0xa1: {  	[sflag:s8] =	ssyncadd.s32 s6;
	_ =	sdelay $0x1  }
0xa2: {  	s23 =	simm.s32 $0x1B8B  }
0xa3: {  	_ =	swait.ge [sflag:s23], $0x1  }
0xa4: {  	[sflag:s23] =	ssyncset.done $0x0  }
0xa5: {  	[sflag:s23] =	ssyncadd.s32 $0xFFFFFFFF  }
0xa6: {  	s6 =	sld [smem:$0x0]  }
0xa7: {  	s7 =	sand.u32 $0xFFFFFFFE, s1  }
0xa8: {  	p0 =	sne.s32 s1, s7  }
0xa9: {  	s7 =	sshll.u32 @p0 s7, $0xE  }
0xaa: {  	s7 =	sadd.s32 @p0 $0x11B8D, s7;
	s8 =	sshll.u32 @p0 s6, $0x11  }
0xab: {  	s7 =	sor.u32 @p0 s8, s7  }
0xac: {  	[sflag:s7] =	ssyncadd.remote.s32 @p0 $0x1;
	_ =	sdelay $0x1  }
0xad: {  	s7 =	simm.s32 @p0 $0x1B8D  }
0xae: {  	_ =	swait.eq @p0 [sflag:s7], $0x1  }
0xaf: {  	[sflag:s7] =	ssyncadd.s32 @p0 $0xFFFFFFFF  }
0xb0: {  	s8 =	sshll.u32 @!p0 s1, $0xE  }
0xb1: {  	s8 =	sor.u32 @!p0 $0x4000, s8;
	s7 =	simm.s32 @!p0 $0x1B8D  }
0xb2: {  	s6 =	sshll.u32 @!p0 s6, $0x11;
	s8 =	sadd.s32 @!p0 $0x11B8D, s8;
	_ =	swait.eq @!p0 [sflag:s7], $0x1  }
0xb3: {  	s6 =	sor.u32 @!p0 s6, s8;
	[sflag:s7] =	ssyncadd.s32 @!p0 $0xFFFFFFFF  }
0xb4: {  	s25 =	simm.s32 $0x1B8E;
	s24 =	sld [smem:$0x3FFE];
	[sflag:s6] =	ssyncadd.remote.s32 @!p0 $0x1  }
0xb5: {  	s26 =	simm.s32 $execute0_lowered;
	[smem:$0x3FD2] =	sst s25  }
0xb6: {  	s7 =	sshll.u32 s26, $0x1;
	_ =	strace $0x80000049;
	[dreg:$0x1] =	wrdreg $0xFFFFFFFF  }
0xb7: {  	s28 =	simm.s32 $_size_execute0_lowered;
	s5 =	sadd.s32 s5, s7;
	[dreg:$0x0] =	wrdreg $0x0  }
0xb8: {  	s7 =	sshll.u32 s28, $0x1;
	[dreg:$0x2] =	wrdreg s5  }
0xb9: {  	[dreg:$0x3] =	wrdreg s7  }
0xba: {  	[dreg:$0x4] =	wrdreg $0xC0  }
0xbb: {  	_ =	task [dreg:s22], $0x5FFFF  }
0xbc: {  	[dreg:$0x1] =	wrdreg $0xFFFFFFFF  }
0xbd: {  	[dreg:$0x0] =	wrdreg $0x60  }
0xbe: {  	[dreg:$0x2] =	wrdreg s4  }
0xbf: {  	[dreg:$0x3] =	wrdreg s18  }
0xc0: {  	[dreg:$0x4] =	wrdreg s24  }
0xc1: {  	[dreg:$0x5] =	wrdreg $0xA  }
0xc2: {  	_ =	task.clear_ibuf [dreg:s22], $0x6FFFF;
	_ =	strace $0x90000049  }
0xc3: {  	s29 =	simm.s32 $0xA;
	_ =	strace $0x8000004B  }
0xc4: {  	_ =	swait.ge [sflag:s29], $0x1  }
0xc5: {  	[sflag:s29] =	ssyncadd.s32 $0xFFFFFFFF  }
0xc6: {  	_ =	strace $0x9000004B  }
0xc7: {  	_ =	sfence  }
0xc8: {  	s30 =	sld [smem:$0x0];
	_ =	sdelay $0x2  }
0xc9: {  	s31 =	sshll.u32 s1, $0xD;
	s1 =	sshrl.u32 s1, $0x2  }
0xca: {  	s4 =	sand.u32 $0x4000, s31;
	s1 =	sadd.s32 s1, s30  }
0xcb: {  	s0 =	sor.u32 s4, s0;
	s1 =	sshll.u32 s1, $0x11  }
0xcc: {  	s0 =	sor.u32 s1, s0  }
0xcd: {  	s0 =	sadd.s32 $0x8F2B, s0  }
0xce: {  	[sflag:s0] =	ssyncadd.remote.s32 $0x1  }
0xcf: {  	_ =	sfence.sel $0xFFFF  }
0xd0: {  	[dreg:$0x0] =	wrdreg $0xFFFFFFFF;
	(pc) =	sbr.abs _section_cstart, $3  }
0xd1: {  	[dreg:$0x1] =	wrdreg $0xFFFFFFFF  }
0xd2: {  	_ =	task.clear_ibuf [dreg:s22], $0x2FFFF;
	_ =	strace $0x9FFFFFFF  }
0xd3: {  	(tm) =	ssettm $0x7FFFFFFF  }
tec
execute0_lowered:
.L_overlay_start_1:
0x0: {  	(tag) =	ssettag $0x1  }
0x1: {  	s2 =	srdreg.scid  }
0x2: {  	s1 =	rddreg [dreg:$0x0];
	s0 =	stileid.u32;
	s11 =	sand.u32 $0x1, s2  }
0x3: {  	s4 =	rddreg [dreg:$0x1];
	s31 =	sshll.u32 s0, $0x9;
	s3 =	sshll.u32 s11, $0x8  }
0x4: {  	s10 =	rddreg [dreg:$0x2];
	s12 =	sor.u32 s3, s31  }
0x5: {  	s2 =	rddreg [dreg:$0x3];
	s3 =	simm.s32 $0x0;
	s5 =	sshrl.u32 s12, $0x3  }
0x6: {  	[smem:$0x7FF] =	sst s3;
	s4 =	sadd.s32 s5, s4  }
0x7: {  	_ =	strace $0x8000004A;
	s5 =	simm.s32 $0x3;
	s4 =	sadd.s32 $0x400, s4  }
0x8: {  	[tilespmem:s3], [sflag:$0x3] =	stream.linear.gather [hbm4b:s4+s3], $0x100, $0x38;
	[tilespmem:$0x8100] =	vst v63  }
0x9: {  	_ =	swait.ge [sflag:s5], $0x100  }
0xa: {  	[sflag:s5] =	ssyncset.done $0x0  }
0xb: {  	s6 =	simm.s32 $0x80;
	s7 =	simm.s32 $0x100;
	[sflag:s5] =	ssyncadd.s32 $0xFFFFFF00  }
0xc: {  	[tilespmem:s7], [sflag:$0x1] =	stream.indirect.gather [hbm4b:s1+s6], $0x80, s3, s6, $0xb8;
	[tilespmem:$0x8100] =	vst v63  }
0xd: {  	s8 =	simm.s32 $0x4100;
	s9 =	simm.s32 $0x1  }
0xe: {  	[tilespmem:s8], [sflag:$0x1] =	stream.indirect.gather [hbm4b:s1+s6], $0x80, s6, s6, $0xb8;
	[tilespmem:$0x8100] =	vst v63  }
0xf: {  	s12 =	sshll.u32 s12, $0x4;
	_ =	swait.ge [sflag:s9], $0x4000  }
0x10: {  	s13 =	ssub.s32 $0x2, s11;
	s12 =	sadd.s32 s12, s10;
	[sflag:s9] =	ssyncset.done $0x0  }
0x11: {  	s14 =	sshrl.u32 s13, $0x1;
	s10 =	sadd.s32 $0x21000, s12;
	[sflag:s9] =	ssyncadd.s32 $0xFFFFC000  }
0x12: {  	[hbm4b:s10+s3] =	stream.linear.scatter [tilespmem:s7], [sflag:$0x2], $0x4000, $0x38;
	[tilespmem:$0x8100] =	vst v63  }
0x13: {  	s13 =	ssub.s32 s13, s14;
	_ =	swait.ge [sflag:s9], $0x4000  }
0x14: {  	s11 =	simm.s32 $0x2;
	s13 =	smax.u32 s13, $0x1;
	[sflag:s9] =	ssyncset.done $0x0  }
0x15: {  	s12 =	sadd.s32 $0x21800, s12;
	p0 =	sne.s32 s13, $0x1;
	[sflag:s9] =	ssyncadd.s32 $0xFFFFC000  }
0x16: {  	[hbm4b:s12+s3] =	stream.linear.scatter [tilespmem:s8], [sflag:$0x2], $0x4000, $0x38;
	[tilespmem:$0x8100] =	vst v63  }
.Ltmp0:
0x17: {  	_ =	swait.ge [sflag:s11], $0x4000;
	(pc) =	sbr.rel @!p0 .LBB2_2-.Ltmp0, $4  }
0x18: {  	[sflag:s11] =	ssyncset.done $0x0  }
0x19: {  	[sflag:s11] =	ssyncadd.s32 $0xFFFFC000  }
0x1a: {  	_ =	swait.ge [sflag:s11], $0x4000  }
0x1b: {  	s13 =	sadd.s32 $0xFFFFFFFF, s13;
	[sflag:s11] =	ssyncset.done $0x0  }
.LBB2_1:
0x1c: {  	p0 =	sne.s32 s13, $0x1;
	s13 =	sadd.s32 $0xFFFFFFFF, s13;
	[sflag:s11] =	ssyncadd.s32 $0xFFFFC000  }
0x1d: {  	[tilespmem:s3], [sflag:$0x3] =	stream.linear.gather [hbm4b:s4+s3], $0x100, $0x38;
	[tilespmem:$0x8100] =	vst v63  }
0x1e: {  	_ =	swait.ge [sflag:s5], $0x100  }
0x1f: {  	[sflag:s5] =	ssyncset.done $0x0  }
0x20: {  	[sflag:s5] =	ssyncadd.s32 $0xFFFFFF00  }
0x21: {  	[tilespmem:s7], [sflag:$0x1] =	stream.indirect.gather [hbm4b:s1+s6], $0x80, s3, s6, $0xb8;
	[tilespmem:$0x8100] =	vst v63  }
0x22: {  	_ = 	snop  }
0x23: {  	[tilespmem:s8], [sflag:$0x1] =	stream.indirect.gather [hbm4b:s1+s6], $0x80, s6, s6, $0xb8;
	[tilespmem:$0x8100] =	vst v63  }
0x24: {  	_ =	swait.ge [sflag:s9], $0x4000  }
0x25: {  	[sflag:s9] =	ssyncset.done $0x0  }
0x26: {  	[sflag:s9] =	ssyncadd.s32 $0xFFFFC000  }
0x27: {  	[hbm4b:s10+s3] =	stream.linear.scatter [tilespmem:s7], [sflag:$0x2], $0x4000, $0x38;
	[tilespmem:$0x8100] =	vst v63  }
0x28: {  	_ =	swait.ge [sflag:s9], $0x4000  }
0x29: {  	[sflag:s9] =	ssyncset.done $0x0  }
0x2a: {  	[sflag:s9] =	ssyncadd.s32 $0xFFFFC000  }
0x2b: {  	[hbm4b:s12+s3] =	stream.linear.scatter [tilespmem:s8], [sflag:$0x2], $0x4000, $0x38;
	[tilespmem:$0x8100] =	vst v63  }
.Ltmp1:
0x2c: {  	_ =	swait.ge [sflag:s11], $0x4000;
	(pc) =	sbr.rel @p0 .LBB2_1-.Ltmp1, $4  }
0x2d: {  	[sflag:s11] =	ssyncset.done $0x0  }
0x2e: {  	[sflag:s11] =	ssyncadd.s32 $0xFFFFC000  }
0x2f: {  	_ =	swait.ge [sflag:s11], $0x4000  }
0x30: {  	[sflag:s11] =	ssyncset.done $0x0  }
.LBB2_2:
0x31: {  	[sflag:s11] =	ssyncadd.s32 $0xFFFFC000  }
0x32: {  	_ =	sfence.sel $0x180000  }
0x33: {  	[bflag:$0x0] =	sbarrier.arrive $0xFFFF  }
0x34: {  	p0 =	sne.s32 s0, $0x0;
	_ =	strace $0x9000004A  }
0x35: {  	s0 =	sadd.s32 @!p0 $0x100000, s2;
	[bflag:$0x2] =	sbarrier.arrive $0xFFFF  }
0x36: {  	[sflag:s0] =	ssyncadd.tile.s32 @!p0 $0x1;
	_ =	shalt  }
.Lfunc_end2:
_tile_overlayer_lowered:
.L_overlay_start_2:
0x37: {  	(tag) =	ssettag $0x2  }
0x38: {  	s0 =	rddreg [dreg:$0x0];
	s2 =	stileid.u32  }
0x39: {  	s1 =	rddreg [dreg:$0x1];
	p0 =	sne.s32 s2, $0x0  }
0x3a: {  	s3 =	rddreg [dreg:$0x2];
	[bflag:$0x3] =	sbarrier.arrive $0xFFFF;
	s2 =	simm.s32 @!p0 $0x1C03  }
0x3b: {  	[timem:s3], [sflag:s2] =	dma.local @!p0 [hbm:s0], s1  }
0x3c: {  	s0 =	simm.s32 @!p0 $0x3  }
0x3d: {  	_ =	swait.ge @!p0 [sflag:s0], s1  }
0x3e: {  	s1 =	ssub.s32 @!p0 $0x0, s1;
	[sflag:s0] =	ssyncset.done @!p0 $0x0  }
0x3f: {  	[sflag:s0] =	ssyncadd.s32 @!p0 s1  }
0x40: {  	[bflag:$0x3] =	sbarrier.arrive $0xFFFF  }
0x41: {  	_ =	shalt  }

</sc_bundles>
